<compile_context>
chip_gen: v7x
topology: tpu7x:2x2x1
jax: 0.10.2.dev20260603
libtpu: 0.0.44.dev20260713+nightly
codegen_flags: <defaults>
</compile_context>

<pallas_src>
import functools

import jax
import jax.numpy as jnp
from jax import lax
from jax.experimental import pallas as pl
from jax.experimental.pallas import tpu as pltpu
from jax.experimental.pallas import tpu_sc as plsc

N = 10000
E = 320000
D = 128
NPAD = 10240
NC, NS = 2, 16
NW = NC * NS
EPAD = 327680
EPW = EPAD // NW
PADNODE = 10016
K = 128
NCHUNK = EPW // K
NPH = NCHUNK // 2
RPT = NPAD // NS
BM = 1024
GRID = NPAD // BM

_f32 = jnp.float32
_mesh = plsc.VectorSubcoreMesh(core_axis_name="c", subcore_axis_name="s")


def _zero_fill(ref, n):
    zero16 = jnp.zeros((16,), _f32)

    def body(i, carry):
        ref[pl.ds(i * 16, 16)] = zero16
        return carry

    lax.fori_loop(0, n // 16, body, 0)



@functools.partial(
    pl.kernel,
    out_type=jax.ShapeDtypeStruct((NC * NPAD,), _f32),
    mesh=_mesh,
    scratch_types=[
        pltpu.VMEM_SHARED((NPAD,), _f32),
        pltpu.VMEM((EPW,), jnp.int32),
        pltpu.VMEM((K,), _f32),
        pltpu.VMEM((RPT,), _f32),
    ],
)
def _deg_kernel(dst_hbm, out_hbm, deg_sh, idx_v, ones_v, zbuf_v):
    cid = lax.axis_index("c")
    sid = lax.axis_index("s")
    wid = sid * NC + cid
    one16 = jnp.ones((16,), _f32)
    for i in range(K // 16):
        ones_v[pl.ds(i * 16, 16)] = one16
    _zero_fill(zbuf_v, RPT)
    pltpu.sync_copy(dst_hbm.at[pl.ds(wid * EPW, EPW)], idx_v)
    pltpu.sync_copy(zbuf_v, deg_sh.at[pl.ds(sid * RPT, RPT)])
    plsc.subcore_barrier()

    def chunk(c, carry):
        pltpu.sync_copy(ones_v, deg_sh.at[idx_v.at[pl.ds(c * K, K)]], add=True)
        return carry

    lax.fori_loop(0, NCHUNK, chunk, 0)
    plsc.subcore_barrier()
    pltpu.sync_copy(deg_sh.at[pl.ds(sid * RPT, RPT)],
                    out_hbm.at[pl.ds(cid * NPAD + sid * RPT, RPT)])



@functools.partial(
    pl.kernel,
    out_type=(jax.ShapeDtypeStruct((NC * NPAD, D), _f32),
              jax.ShapeDtypeStruct((NC * NPAD,), _f32)),
    mesh=_mesh,
    scratch_types=[
        pltpu.VMEM_SHARED((NPAD, D), _f32),
        pltpu.VMEM_SHARED((NPAD,), _f32),
        pltpu.VMEM((EPW // 2,), jnp.int32),
        pltpu.VMEM((EPW // 2,), jnp.int32),
        pltpu.VMEM((K, D), _f32),
        pltpu.VMEM((K, D), _f32),
        pltpu.VMEM((K,), _f32),
        pltpu.VMEM((K,), _f32),
        pltpu.VMEM((RPT,), _f32),
        pltpu.SemaphoreType.DMA,
        pltpu.SemaphoreType.DMA,
        pltpu.SemaphoreType.DMA,
        pltpu.SemaphoreType.DMA,
    ],
)
def _scatter_kernel(src_hbm, dst_hbm, y_hbm, dinv_hbm, zeros_hbm,
                    acc_out, t_out,
                    acc_sh, t_sh, src_v, dst_v, rowsA, rowsB,
                    dvalA, dvalB, zbuf_v, semA, semB, semA2, semB2):
    cid = lax.axis_index("c")
    sid = lax.axis_index("s")
    wid = sid * NC + cid
    base = sid * RPT
    pltpu.sync_copy(zeros_hbm.at[pl.ds(base, RPT)], acc_sh.at[pl.ds(base, RPT)])
    _zero_fill(zbuf_v, RPT)
    pltpu.sync_copy(zbuf_v, t_sh.at[pl.ds(base, RPT)])
    plsc.subcore_barrier()

    def start(c, rows_x, dval_x, sem_r, sem_d):
        pltpu.async_copy(y_hbm.at[src_v.at[pl.ds(c * K, K)]], rows_x, sem_r)
        pltpu.async_copy(dinv_hbm.at[dst_v.at[pl.ds(c * K, K)]], dval_x, sem_d)

    def finish(c, rows_x, dval_x, sem_r, sem_d):
        pltpu.make_async_copy(y_hbm.at[pl.ds(0, K)], rows_x, sem_r).wait()
        pltpu.sync_copy(rows_x, acc_sh.at[dst_v.at[pl.ds(c * K, K)]], add=True)
        pltpu.make_async_copy(dinv_hbm.at[pl.ds(0, K)], dval_x, sem_d).wait()
        pltpu.sync_copy(dval_x, t_sh.at[src_v.at[pl.ds(c * K, K)]], add=True)

    def run_phase(ph):
        off = wid * EPW + ph * (EPW // 2)
        pltpu.sync_copy(src_hbm.at[pl.ds(off, EPW // 2)], src_v)
        pltpu.sync_copy(dst_hbm.at[pl.ds(off, EPW // 2)], dst_v)
        start(0, rowsA, dvalA, semA, semA2)

        def body(g, carry):
            start(2 * g + 1, rowsB, dvalB, semB, semB2)
            finish(2 * g, rowsA, dvalA, semA, semA2)
            start(2 * g + 2, rowsA, dvalA, semA, semA2)
            finish(2 * g + 1, rowsB, dvalB, semB, semB2)
            return carry

        lax.fori_loop(0, (NPH - 2) // 2, body, 0)
        start(NPH - 1, rowsB, dvalB, semB, semB2)
        finish(NPH - 2, rowsA, dvalA, semA, semA2)
        finish(NPH - 1, rowsB, dvalB, semB, semB2)

    run_phase(0)
    run_phase(1)
    plsc.subcore_barrier()
    pltpu.sync_copy(acc_sh.at[pl.ds(base, RPT)],
                    acc_out.at[pl.ds(cid * NPAD + base, RPT)])
    pltpu.sync_copy(t_sh.at[pl.ds(base, RPT)],
                    t_out.at[pl.ds(cid * NPAD + base, RPT)])



def _scale_body(d0_ref, d1_ref, x_ref, w_ref, y_ref, dv_ref):
    deg = d0_ref[...] + d1_ref[...] + 1.0
    dinv = lax.rsqrt(deg)
    dv_ref[...] = dinv
    xw = jnp.dot(x_ref[...], w_ref[...], preferred_element_type=jnp.float32)
    y_ref[...] = xw * dinv


_scale = pl.pallas_call(
    _scale_body,
    grid=(GRID,),
    in_specs=[
        pl.BlockSpec((BM, 1), lambda i: (i, 0)),
        pl.BlockSpec((BM, 1), lambda i: (i, 0)),
        pl.BlockSpec((BM, D), lambda i: (i, 0)),
        pl.BlockSpec((D, D), lambda i: (0, 0)),
    ],
    out_specs=[
        pl.BlockSpec((BM, D), lambda i: (i, 0)),
        pl.BlockSpec((BM, 1), lambda i: (i, 0)),
    ],
    out_shape=[
        jax.ShapeDtypeStruct((NPAD, D), _f32),
        jax.ShapeDtypeStruct((NPAD, 1), _f32),
    ],
)


def _final_body(acc_ref, y_ref, dv_ref, t0_ref, t1_ref, b1_ref,
                W2_ref, b2_ref, Wr1_ref, br1_ref, Wr2_ref, br2_ref,
                Wu_ref, bu_ref, pred_ref, unc_ref, v_ref):
    i = pl.program_id(0)
    acc = acc_ref[0] + acc_ref[1] + y_ref[...]
    dinv = dv_ref[...]
    h = jnp.maximum(acc * dinv + b1_ref[...], 0.0)
    t = t0_ref[...] + t1_ref[...] + dinv
    c = dinv * t
    rowid = lax.broadcasted_iota(jnp.int32, (BM, 1), 0) + i * BM
    c = jnp.where(rowid < N, c, 0.0)
    part = jnp.sum(c * h, axis=0, keepdims=True)

    @pl.when(i == 0)
    def _():
        v_ref[...] = jnp.zeros_like(v_ref)

    v_ref[...] += part

    @pl.when(i == GRID - 1)
    def _():
        v = v_ref[...] * (1.0 / N)
        g = jnp.dot(v, W2_ref[...], preferred_element_type=jnp.float32)
        g = g + b2_ref[...]
        hid = jnp.dot(g, Wr1_ref[...], preferred_element_type=jnp.float32)
        hid = jnp.maximum(hid + br1_ref[...], 0.0)
        pred = jnp.dot(hid, Wr2_ref[...], preferred_element_type=jnp.float32)
        pred_ref[...] = pred + br2_ref[...]
        u = jnp.dot(g, Wu_ref[...], preferred_element_type=jnp.float32)
        u = u + bu_ref[...]
        unc_ref[...] = 1.0 / (1.0 + jnp.exp(-u))


def _full(shape):
    return pl.BlockSpec(shape, lambda i: tuple(0 for _ in shape))


_final = pl.pallas_call(
    _final_body,
    grid=(GRID,),
    in_specs=[
        pl.BlockSpec((NC, BM, D), lambda i: (0, i, 0)),
        pl.BlockSpec((BM, D), lambda i: (i, 0)),
        pl.BlockSpec((BM, 1), lambda i: (i, 0)),
        pl.BlockSpec((BM, 1), lambda i: (i, 0)),
        pl.BlockSpec((BM, 1), lambda i: (i, 0)),
        _full((1, D)),
        _full((D, D)),
        _full((1, D)),
        _full((D, D // 2)),
        _full((1, D // 2)),
        _full((D // 2, 1)),
        _full((1, 1)),
        _full((D, 1)),
        _full((1, 1)),
    ],
    out_specs=[_full((1, 1)), _full((1, 1))],
    out_shape=[jax.ShapeDtypeStruct((1, 1), _f32),
               jax.ShapeDtypeStruct((1, 1), _f32)],
    scratch_shapes=[pltpu.VMEM((1, D), _f32)],
)



def kernel(x, edge_index, W1, b1, W2, b2, Wr1, br1, Wr2, br2, Wu, bu):
    epad = jnp.full((EPAD - E,), PADNODE, jnp.int32)
    src2 = jnp.concatenate([edge_index[0], epad])
    dst2 = jnp.concatenate([edge_index[1], epad])
    x_pad = jnp.pad(x, ((0, NPAD - N), (0, 0)))

    deg2 = _deg_kernel(dst2)
    deg0 = deg2[:NPAD].reshape(NPAD, 1)
    deg1 = deg2[NPAD:].reshape(NPAD, 1)
    y, dinv_c = _scale(deg0, deg1, x_pad, W1)
    dinv = dinv_c.reshape(NPAD)

    zeros2d = jnp.zeros((NPAD, D), _f32)
    acc2, t2 = _scatter_kernel(src2, dst2, y, dinv, zeros2d)
    acc3 = acc2.reshape(NC, NPAD, D)
    t0 = t2[:NPAD].reshape(NPAD, 1)
    t1 = t2[NPAD:].reshape(NPAD, 1)

    pred, unc = _final(acc3, y, dinv_c, t0, t1,
                       b1.reshape(1, D), W2, b2.reshape(1, D),
                       Wr1, br1.reshape(1, D // 2), Wr2, br2.reshape(1, 1),
                       Wu, bu.reshape(1, 1))
    return (pred, unc)

# --- scband reference (transcript-rebuilt; emitter-appended) ---
"""Pipeline reference for scband-fusion-alpha-model-47502338294424 (READ-ONLY COPY).

The authoritative reference and input builder live on the scoring server;
editing this copy changes nothing except your own understanding.
"""

import jax, jax.numpy as jnp
import numpy as np

N_NODES = 10000
N_EDGES = 320000
D_IN = 128
D_HID = 128
D_OUT = 1

def setup_inputs(seed: int = 0) -> dict:
    key = jax.random.key(seed)
    ks = jax.random.split(key, 16)
    x = jax.random.normal(ks[0], (N_NODES, D_IN), dtype=jnp.float32)
    edge_index = jax.random.randint(ks[1], (2, N_EDGES), 0, N_NODES, dtype=jnp.int64 if jax.config.read('jax_enable_x64') else jnp.int32).astype(jnp.int32)
    s = 1.0 / np.sqrt(D_IN)
    W1 = jax.random.uniform(ks[2], (D_IN, D_HID), jnp.float32, -s, s)
    b1 = jax.random.uniform(ks[3], (D_HID,), jnp.float32, -s, s)
    sh = 1.0 / np.sqrt(D_HID)
    W2 = jax.random.uniform(ks[4], (D_HID, D_HID), jnp.float32, -sh, sh)
    b2 = jax.random.uniform(ks[5], (D_HID,), jnp.float32, -sh, sh)
    Wr1 = jax.random.uniform(ks[6], (D_HID, D_HID // 2), jnp.float32, -sh, sh)
    br1 = jax.random.uniform(ks[7], (D_HID // 2,), jnp.float32, -sh, sh)
    sr = 1.0 / np.sqrt(D_HID // 2)
    Wr2 = jax.random.uniform(ks[8], (D_HID // 2, D_OUT), jnp.float32, -sr, sr)
    br2 = jax.random.uniform(ks[9], (D_OUT,), jnp.float32, -sr, sr)
    Wu = jax.random.uniform(ks[10], (D_HID, 1), jnp.float32, -sh, sh)
    bu = jax.random.uniform(ks[11], (1,), jnp.float32, -sh, sh)
    return {"x": x, "edge_index": edge_index, "W1": W1, "b1": b1, "W2": W2, "b2": b2,
            "Wr1": Wr1, "br1": br1, "Wr2": Wr2, "br2": br2, "Wu": Wu, "bu": bu}

def _gcn_conv(x, src, dst, W, b, n):
    # PyG GCNConv (add_self_loops=True, normalize=True, edge_weight=None):
    # x' = D^{-1/2} (A + I) D^{-1/2} X W + b, aggregation at dst (col)
    xw = x @ W
    sl = jnp.arange(n, dtype=src.dtype)
    src_sl = jnp.concatenate([src, sl])
    dst_sl = jnp.concatenate([dst, sl])
    w = jnp.ones(src_sl.shape[0], dtype=x.dtype)
    deg = jax.ops.segment_sum(w, dst_sl, num_segments=n)
    dinv = jnp.where(deg > 0, 1.0 / jnp.sqrt(deg), 0.0)
    norm = dinv[src_sl] * w * dinv[dst_sl]
    msg = jnp.take(xw, src_sl, axis=0) * norm[:, None]
    out = jax.ops.segment_sum(msg, dst_sl, num_segments=n)
    return out + b

def reference(x, edge_index, W1, b1, W2, b2, Wr1, br1, Wr2, br2, Wu, bu):
    n = x.shape[0]
    src = edge_index[0]
    dst = edge_index[1]
    h = _gcn_conv(x, src, dst, W1, b1, n)
    h = jax.nn.relu(h)  # dropout is identity in eval mode
    h = _gcn_conv(h, src, dst, W2, b2, n)
    g = h.mean(axis=0, keepdims=True)
    hid = jax.nn.relu(g @ Wr1 + br1)
    prediction = hid @ Wr2 + br2
    uncertainty = jax.nn.sigmoid(g @ Wu + bu)
    return (prediction, uncertainty)

if __name__ == "__main__":
    import jax
    _d = setup_inputs()
    print(jax.jit(kernel)(*tuple(_d.values())))

</pallas_src>

<mosaic_0001>
#map = affine_map<(d0, d1) -> (0)>
#map1 = affine_map<(d0, d1) -> (0, 0)>
module attributes {stable_mosaic.version = 14 : i64} {
  func.func @_scatter_kernel(%arg0: i32, %arg1: i32, %arg2: memref<327680xi32, #tpu.memory_space<hbm>>, %arg3: memref<327680xi32, #tpu.memory_space<hbm>>, %arg4: memref<10240x128xf32, #tpu.memory_space<hbm>>, %arg5: memref<10240xf32, #tpu.memory_space<hbm>>, %arg6: memref<10240x128xf32, #tpu.memory_space<hbm>>, %arg7: memref<20480x128xf32, #tpu.memory_space<hbm>>, %arg8: memref<20480xf32, #tpu.memory_space<hbm>>, %arg9: memref<10240x128xf32, #tpu.memory_space<vmem_shared>>, %arg10: memref<10240xf32, #tpu.memory_space<vmem_shared>>, %arg11: memref<5120xi32, #tpu.memory_space<vmem>>, %arg12: memref<5120xi32, #tpu.memory_space<vmem>>, %arg13: memref<128x128xf32, #tpu.memory_space<vmem>>, %arg14: memref<128x128xf32, #tpu.memory_space<vmem>>, %arg15: memref<128xf32, #tpu.memory_space<vmem>>, %arg16: memref<128xf32, #tpu.memory_space<vmem>>, %arg17: memref<640xf32, #tpu.memory_space<vmem>>, %arg18: memref<!tpu.dma_semaphore, #tpu.memory_space<semaphore_mem>>, %arg19: memref<!tpu.dma_semaphore, #tpu.memory_space<semaphore_mem>>, %arg20: memref<!tpu.dma_semaphore, #tpu.memory_space<semaphore_mem>>, %arg21: memref<!tpu.dma_semaphore, #tpu.memory_space<semaphore_mem>>) attributes {dimension_semantics = [#tpu.dimension_semantics<core_parallel>, #tpu.dimension_semantics<subcore_parallel>], iteration_bounds = array<i64: 2, 16>, scalar_prefetch = 0 : i64, scratch_operands = 13 : i64, tpu.core_type = #tpu.core_type<sc_vector_subcore>, window_params = [{transform_indices = #map}, {transform_indices = #map}, {transform_indices = #map1}, {transform_indices = #map}, {transform_indices = #map1}, {transform_indices = #map1}, {transform_indices = #map}]} {
    %mul3A = arith.constant 2 : i32
    %mul3A_0 = arith.muli %arg1, %mul3A : i32
    %add3A = arith.addi %mul3A_0, %arg0 : i32
    %mul3A_1 = arith.constant 640 : i32
    %mul3A_2 = arith.muli %arg1, %mul3A_1 : i32
    "tpu.region"() ({
      %run_scoped3A = tpu.sem_alloc : memref<!tpu.dma_semaphore, #tpu.memory_space<semaphore_mem>>
      %dma_start3A_110 = arith.constant 0 : i32
      %dma_start3A_111 = tpu.memref_slice %arg9[%mul3A_2, %dma_start3A_110] : memref<10240x128xf32, #tpu.memory_space<vmem_shared>> -> memref<640x128xf32, #tpu.memory_space<vmem_shared>>
      %dma_start3A_112 = arith.constant 0 : i32
      %dma_start3A_113 = tpu.memref_slice %arg6[%mul3A_2, %dma_start3A_112] : memref<10240x128xf32, #tpu.memory_space<hbm>> -> memref<640x128xf32, #tpu.memory_space<hbm>>
      tpu.enqueue_dma source(%dma_start3A_113 : memref<640x128xf32, #tpu.memory_space<hbm>>) target(%dma_start3A_111 : memref<640x128xf32, #tpu.memory_space<vmem_shared>>) target_semaphore(%run_scoped3A : memref<!tpu.dma_semaphore, #tpu.memory_space<semaphore_mem>>)
      %dma_wait3A_114 = arith.constant 0 : i32
      %dma_wait3A_115 = tpu.memref_slice %arg9[%mul3A_2, %dma_wait3A_114] : memref<10240x128xf32, #tpu.memory_space<vmem_shared>> -> memref<640x128xf32, #tpu.memory_space<vmem_shared>>
      %dma_wait3A_116 = arith.constant 0 : i32
      %dma_wait3A_117 = tpu.memref_slice %arg6[%mul3A_2, %dma_wait3A_116] : memref<10240x128xf32, #tpu.memory_space<hbm>> -> memref<640x128xf32, #tpu.memory_space<hbm>>
      tpu.wait_dma2 semaphore(%run_scoped3A : memref<!tpu.dma_semaphore, #tpu.memory_space<semaphore_mem>>) src(%dma_wait3A_117 : memref<640x128xf32, #tpu.memory_space<hbm>>) dst(%dma_wait3A_115 : memref<640x128xf32, #tpu.memory_space<vmem_shared>>)
      tpu.yield
    }) : () -> ()
    %broadcast_in_dim3A = arith.constant 0.000000e+00 : f32
    %broadcast_in_dim3A_3 = vector.broadcast %broadcast_in_dim3A : f32 to vector<16xf32>
    %scan3A = arith.constant 0 : i32
    %scan3A_4 = arith.constant 0 : i32
    %scan3A_5 = arith.constant 40 : i32
    %scan3A_6 = arith.addi %scan3A_4, %scan3A_5 : i32
    %scan3A_7 = arith.constant 1 : i32
    scf.for %scan3A_110 = %scan3A_4 to %scan3A_6 step %scan3A_7  : i32 {
      %mul3A_111 = arith.constant 16 : i32
      %mul3A_112 = arith.muli %scan3A_110, %mul3A_111 : i32
      %swap3A = arith.index_cast %mul3A_112 : i32 to index
      %swap3A_113 = tpu.vector_load %arg17[%swap3A] {strides = array<i32>} : memref<640xf32, #tpu.memory_space<vmem>>, vector<16xf32>,
      %swap3A_114 = vector.shape_cast %swap3A_113 : vector<16xf32> to vector<16xf32>
      %swap3A_115 = vector.shape_cast %broadcast_in_dim3A_3 : vector<16xf32> to vector<16xf32>
      tpu.vector_store %arg17[%swap3A], %swap3A_115 {strides = array<i32>} : memref<640xf32, #tpu.memory_space<vmem>>, vector<16xf32>,
    }
    %scan3A_8 = arith.constant 40 : i32
    "tpu.region"() ({
      %run_scoped3A = tpu.sem_alloc : memref<!tpu.dma_semaphore, #tpu.memory_space<semaphore_mem>>
      %dma_start3A_110 = tpu.memref_slice %arg10[%mul3A_2] : memref<10240xf32, #tpu.memory_space<vmem_shared>> -> memref<640xf32, #tpu.memory_space<vmem_shared>>
      %dma_start3A_111 = tpu.memref_slice %arg10[%mul3A_2] : memref<10240xf32, #tpu.memory_space<vmem_shared>> -> memref<640xf32, #tpu.memory_space<vmem_shared>>
      tpu.enqueue_dma source(%arg17 : memref<640xf32, #tpu.memory_space<vmem>>) target(%dma_start3A_111 : memref<640xf32, #tpu.memory_space<vmem_shared>>) target_semaphore(%run_scoped3A : memref<!tpu.dma_semaphore, #tpu.memory_space<semaphore_mem>>)
      %dma_wait3A_112 = tpu.memref_slice %arg10[%mul3A_2] : memref<10240xf32, #tpu.memory_space<vmem_shared>> -> memref<640xf32, #tpu.memory_space<vmem_shared>>
      %dma_wait3A_113 = tpu.memref_slice %arg10[%mul3A_2] : memref<10240xf32, #tpu.memory_space<vmem_shared>> -> memref<640xf32, #tpu.memory_space<vmem_shared>>
      tpu.wait_dma2 semaphore(%run_scoped3A : memref<!tpu.dma_semaphore, #tpu.memory_space<semaphore_mem>>) src(%arg17 : memref<640xf32, #tpu.memory_space<vmem>>) dst(%dma_wait3A_113 : memref<640xf32, #tpu.memory_space<vmem_shared>>)
      tpu.yield
    }) : () -> ()
    %barrier3A = arith.constant 0 : index
    tpu.barrier barrier_id(%barrier3A)
    %mul3A_9 = arith.constant 10240 : i32
    %mul3A_10 = arith.muli %add3A, %mul3A_9 : i32
    %add3A_11 = arith.constant 0 : i32
    %add3A_12 = arith.addi %mul3A_10, %add3A_11 : i32
    "tpu.region"() ({
      %run_scoped3A = tpu.sem_alloc : memref<!tpu.dma_semaphore, #tpu.memory_space<semaphore_mem>>
      %dma_start3A_110 = tpu.memref_slice %arg2[%add3A_12] : memref<327680xi32, #tpu.memory_space<hbm>> -> memref<5120xi32, #tpu.memory_space<hbm>>
      %dma_start3A_111 = tpu.memref_slice %arg2[%add3A_12] : memref<327680xi32, #tpu.memory_space<hbm>> -> memref<5120xi32, #tpu.memory_space<hbm>>
      tpu.enqueue_dma source(%dma_start3A_111 : memref<5120xi32, #tpu.memory_space<hbm>>) target(%arg11 : memref<5120xi32, #tpu.memory_space<vmem>>) target_semaphore(%run_scoped3A : memref<!tpu.dma_semaphore, #tpu.memory_space<semaphore_mem>>)
      %dma_wait3A_112 = tpu.memref_slice %arg2[%add3A_12] : memref<327680xi32, #tpu.memory_space<hbm>> -> memref<5120xi32, #tpu.memory_space<hbm>>
      %dma_wait3A_113 = tpu.memref_slice %arg2[%add3A_12] : memref<327680xi32, #tpu.memory_space<hbm>> -> memref<5120xi32, #tpu.memory_space<hbm>>
      tpu.wait_dma2 semaphore(%run_scoped3A : memref<!tpu.dma_semaphore, #tpu.memory_space<semaphore_mem>>) src(%dma_wait3A_113 : memref<5120xi32, #tpu.memory_space<hbm>>) dst(%arg11 : memref<5120xi32, #tpu.memory_space<vmem>>)
      tpu.yield
    }) : () -> ()
    "tpu.region"() ({
      %run_scoped3A = tpu.sem_alloc : memref<!tpu.dma_semaphore, #tpu.memory_space<semaphore_mem>>
      %dma_start3A_110 = tpu.memref_slice %arg3[%add3A_12] : memref<327680xi32, #tpu.memory_space<hbm>> -> memref<5120xi32, #tpu.memory_space<hbm>>
      %dma_start3A_111 = tpu.memref_slice %arg3[%add3A_12] : memref<327680xi32, #tpu.memory_space<hbm>> -> memref<5120xi32, #tpu.memory_space<hbm>>
      tpu.enqueue_dma source(%dma_start3A_111 : memref<5120xi32, #tpu.memory_space<hbm>>) target(%arg12 : memref<5120xi32, #tpu.memory_space<vmem>>) target_semaphore(%run_scoped3A : memref<!tpu.dma_semaphore, #tpu.memory_space<semaphore_mem>>)
      %dma_wait3A_112 = tpu.memref_slice %arg3[%add3A_12] : memref<327680xi32, #tpu.memory_space<hbm>> -> memref<5120xi32, #tpu.memory_space<hbm>>
      %dma_wait3A_113 = tpu.memref_slice %arg3[%add3A_12] : memref<327680xi32, #tpu.memory_space<hbm>> -> memref<5120xi32, #tpu.memory_space<hbm>>
      tpu.wait_dma2 semaphore(%run_scoped3A : memref<!tpu.dma_semaphore, #tpu.memory_space<semaphore_mem>>) src(%dma_wait3A_113 : memref<5120xi32, #tpu.memory_space<hbm>>) dst(%arg12 : memref<5120xi32, #tpu.memory_space<vmem>>)
      tpu.yield
    }) : () -> ()
    %dma_start3A = arith.constant 0 : i32
    %dma_start3A_13 = tpu.memref_slice %arg11[%dma_start3A] : memref<5120xi32, #tpu.memory_space<vmem>> -> memref<128xi32, #tpu.memory_space<vmem>>
    %dma_start3A_14 = arith.constant 0 : i32
    %dma_start3A_15 = arith.constant 0 : i32
    %dma_start3A_16 = tpu.memref_slice %arg4[%dma_start3A_14, %dma_start3A_15] : memref<10240x128xf32, #tpu.memory_space<hbm>> -> memref<10240x128xf32, #tpu.memory_space<hbm>>
    tpu.enqueue_indirect_dma source(%dma_start3A_16 : memref<10240x128xf32, #tpu.memory_space<hbm>>) target(%arg13 : memref<128x128xf32, #tpu.memory_space<vmem>>) offsets(%dma_start3A_13 : memref<128xi32, #tpu.memory_space<vmem>>) semaphore(%arg18 : memref<!tpu.dma_semaphore, #tpu.memory_space<semaphore_mem>>)
    %dma_start3A_17 = arith.constant 0 : i32
    %dma_start3A_18 = tpu.memref_slice %arg12[%dma_start3A_17] : memref<5120xi32, #tpu.memory_space<vmem>> -> memref<128xi32, #tpu.memory_space<vmem>>
    %dma_start3A_19 = arith.constant 0 : i32
    %dma_start3A_20 = tpu.memref_slice %arg5[%dma_start3A_19] : memref<10240xf32, #tpu.memory_space<hbm>> -> memref<10240xf32, #tpu.memory_space<hbm>>
    tpu.enqueue_indirect_dma source(%dma_start3A_20 : memref<10240xf32, #tpu.memory_space<hbm>>) target(%arg15 : memref<128xf32, #tpu.memory_space<vmem>>) offsets(%dma_start3A_18 : memref<128xi32, #tpu.memory_space<vmem>>) semaphore(%arg20 : memref<!tpu.dma_semaphore, #tpu.memory_space<semaphore_mem>>)
    %scan3A_21 = arith.constant 0 : i32
    %scan3A_22 = arith.constant 0 : i32
    %scan3A_23 = arith.constant 19 : i32
    %scan3A_24 = arith.addi %scan3A_22, %scan3A_23 : i32
    %scan3A_25 = arith.constant 1 : i32
    scf.for %scan3A_110 = %scan3A_22 to %scan3A_24 step %scan3A_25  : i32 {
      %mul3A_111 = arith.constant 2 : i32
      %mul3A_112 = arith.muli %mul3A_111, %scan3A_110 : i32
      %add3A_113 = arith.constant 1 : i32
      %add3A_114 = arith.addi %mul3A_112, %add3A_113 : i32
      %mul3A_115 = arith.constant 128 : i32
      %mul3A_116 = arith.muli %add3A_114, %mul3A_115 : i32
      %dma_start3A_117 = tpu.memref_slice %arg11[%mul3A_116] : memref<5120xi32, #tpu.memory_space<vmem>> -> memref<128xi32, #tpu.memory_space<vmem>>
      %dma_start3A_118 = arith.constant 0 : i32
      %dma_start3A_119 = arith.constant 0 : i32
      %dma_start3A_120 = tpu.memref_slice %arg4[%dma_start3A_118, %dma_start3A_119] : memref<10240x128xf32, #tpu.memory_space<hbm>> -> memref<10240x128xf32, #tpu.memory_space<hbm>>
      tpu.enqueue_indirect_dma source(%dma_start3A_120 : memref<10240x128xf32, #tpu.memory_space<hbm>>) target(%arg14 : memref<128x128xf32, #tpu.memory_space<vmem>>) offsets(%dma_start3A_117 : memref<128xi32, #tpu.memory_space<vmem>>) semaphore(%arg19 : memref<!tpu.dma_semaphore, #tpu.memory_space<semaphore_mem>>)
      %mul3A_121 = arith.constant 128 : i32
      %mul3A_122 = arith.muli %add3A_114, %mul3A_121 : i32
      %dma_start3A_123 = tpu.memref_slice %arg12[%mul3A_122] : memref<5120xi32, #tpu.memory_space<vmem>> -> memref<128xi32, #tpu.memory_space<vmem>>
      %dma_start3A_124 = arith.constant 0 : i32
      %dma_start3A_125 = tpu.memref_slice %arg5[%dma_start3A_124] : memref<10240xf32, #tpu.memory_space<hbm>> -> memref<10240xf32, #tpu.memory_space<hbm>>
      tpu.enqueue_indirect_dma source(%dma_start3A_125 : memref<10240xf32, #tpu.memory_space<hbm>>) target(%arg16 : memref<128xf32, #tpu.memory_space<vmem>>) offsets(%dma_start3A_123 : memref<128xi32, #tpu.memory_space<vmem>>) semaphore(%arg21 : memref<!tpu.dma_semaphore, #tpu.memory_space<semaphore_mem>>)
      %mul3A_126 = arith.constant 2 : i32
      %mul3A_127 = arith.muli %mul3A_126, %scan3A_110 : i32
      %dma_wait3A_128 = arith.constant 0 : i32
      %dma_wait3A_129 = arith.constant 0 : i32
      %dma_wait3A_130 = tpu.memref_slice %arg4[%dma_wait3A_128, %dma_wait3A_129] : memref<10240x128xf32, #tpu.memory_space<hbm>> -> memref<128x128xf32, #tpu.memory_space<hbm>>
      %dma_wait3A_131 = arith.constant 0 : i32
      %dma_wait3A_132 = arith.constant 0 : i32
      %dma_wait3A_133 = tpu.memref_slice %arg4[%dma_wait3A_131, %dma_wait3A_132] : memref<10240x128xf32, #tpu.memory_space<hbm>> -> memref<128x128xf32, #tpu.memory_space<hbm>>
      tpu.wait_dma2 semaphore(%arg18 : memref<!tpu.dma_semaphore, #tpu.memory_space<semaphore_mem>>) src(%dma_wait3A_133 : memref<128x128xf32, #tpu.memory_space<hbm>>) dst(%arg13 : memref<128x128xf32, #tpu.memory_space<vmem>>)
      %mul3A_134 = arith.constant 128 : i32
      %mul3A_135 = arith.muli %mul3A_127, %mul3A_134 : i32
      "tpu.region"() ({
        %run_scoped3A = tpu.sem_alloc : memref<!tpu.dma_semaphore, #tpu.memory_space<semaphore_mem>>
        %dma_start3A_175 = tpu.memref_slice %arg12[%mul3A_135] : memref<5120xi32, #tpu.memory_space<vmem>> -> memref<128xi32, #tpu.memory_space<vmem>>
        %dma_start3A_176 = arith.constant 0 : i32
        %dma_start3A_177 = arith.constant 0 : i32
        %dma_start3A_178 = tpu.memref_slice %arg9[%dma_start3A_176, %dma_start3A_177] : memref<10240x128xf32, #tpu.memory_space<vmem_shared>> -> memref<10240x128xf32, #tpu.memory_space<vmem_shared>>
        tpu.enqueue_indirect_dma source(%arg13 : memref<128x128xf32, #tpu.memory_space<vmem>>) target(%dma_start3A_178 : memref<10240x128xf32, #tpu.memory_space<vmem_shared>>) offsets(%dma_start3A_175 : memref<128xi32, #tpu.memory_space<vmem>>) semaphore(%run_scoped3A : memref<!tpu.dma_semaphore, #tpu.memory_space<semaphore_mem>>) {add = true}
        %dma_wait3A_179 = tpu.memref_slice %arg12[%mul3A_135] : memref<5120xi32, #tpu.memory_space<vmem>> -> memref<128xi32, #tpu.memory_space<vmem>>
        %dma_wait3A_180 = arith.constant 0 : i32
        %dma_wait3A_181 = arith.constant 0 : i32
        %dma_wait3A_182 = tpu.memref_slice %arg9[%dma_wait3A_180, %dma_wait3A_181] : memref<10240x128xf32, #tpu.memory_space<vmem_shared>> -> memref<10240x128xf32, #tpu.memory_space<vmem_shared>>
        tpu.wait_indirect_dma semaphore(%run_scoped3A : memref<!tpu.dma_semaphore, #tpu.memory_space<semaphore_mem>>) src(%arg13 : memref<128x128xf32, #tpu.memory_space<vmem>>) dst(%dma_wait3A_182 : memref<10240x128xf32, #tpu.memory_space<vmem_shared>>)
        tpu.yield
      }) : () -> ()
      %dma_wait3A_136 = arith.constant 0 : i32
      %dma_wait3A_137 = tpu.memref_slice %arg5[%dma_wait3A_136] : memref<10240xf32, #tpu.memory_space<hbm>> -> memref<128xf32, #tpu.memory_space<hbm>>
      %dma_wait3A_138 = arith.constant 0 : i32
      %dma_wait3A_139 = tpu.memref_slice %arg5[%dma_wait3A_138] : memref<10240xf32, #tpu.memory_space<hbm>> -> memref<128xf32, #tpu.memory_space<hbm>>
      tpu.wait_dma2 semaphore(%arg20 : memref<!tpu.dma_semaphore, #tpu.memory_space<semaphore_mem>>) src(%dma_wait3A_139 : memref<128xf32, #tpu.memory_space<hbm>>) dst(%arg15 : memref<128xf32, #tpu.memory_space<vmem>>)
      %mul3A_140 = arith.constant 128 : i32
      %mul3A_141 = arith.muli %mul3A_127, %mul3A_140 : i32
      "tpu.region"() ({
        %run_scoped3A = tpu.sem_alloc : memref<!tpu.dma_semaphore, #tpu.memory_space<semaphore_mem>>
        %dma_start3A_175 = tpu.memref_slice %arg11[%mul3A_141] : memref<5120xi32, #tpu.memory_space<vmem>> -> memref<128xi32, #tpu.memory_space<vmem>>
        %dma_start3A_176 = arith.constant 0 : i32
        %dma_start3A_177 = tpu.memref_slice %arg10[%dma_start3A_176] : memref<10240xf32, #tpu.memory_space<vmem_shared>> -> memref<10240xf32, #tpu.memory_space<vmem_shared>>
        tpu.enqueue_indirect_dma source(%arg15 : memref<128xf32, #tpu.memory_space<vmem>>) target(%dma_start3A_177 : memref<10240xf32, #tpu.memory_space<vmem_shared>>) offsets(%dma_start3A_175 : memref<128xi32, #tpu.memory_space<vmem>>) semaphore(%run_scoped3A : memref<!tpu.dma_semaphore, #tpu.memory_space<semaphore_mem>>) {add = true}
        %dma_wait3A_178 = tpu.memref_slice %arg11[%mul3A_141] : memref<5120xi32, #tpu.memory_space<vmem>> -> memref<128xi32, #tpu.memory_space<vmem>>
        %dma_wait3A_179 = arith.constant 0 : i32
        %dma_wait3A_180 = tpu.memref_slice %arg10[%dma_wait3A_179] : memref<10240xf32, #tpu.memory_space<vmem_shared>> -> memref<10240xf32, #tpu.memory_space<vmem_shared>>
        tpu.wait_indirect_dma semaphore(%run_scoped3A : memref<!tpu.dma_semaphore, #tpu.memory_space<semaphore_mem>>) src(%arg15 : memref<128xf32, #tpu.memory_space<vmem>>) dst(%dma_wait3A_180 : memref<10240xf32, #tpu.memory_space<vmem_shared>>)
        tpu.yield
      }) : () -> ()
      %mul3A_142 = arith.constant 2 : i32
      %mul3A_143 = arith.muli %mul3A_142, %scan3A_110 : i32
      %add3A_144 = arith.constant 2 : i32
      %add3A_145 = arith.addi %mul3A_143, %add3A_144 : i32
      %mul3A_146 = arith.constant 128 : i32
      %mul3A_147 = arith.muli %add3A_145, %mul3A_146 : i32
      %dma_start3A_148 = tpu.memref_slice %arg11[%mul3A_147] : memref<5120xi32, #tpu.memory_space<vmem>> -> memref<128xi32, #tpu.memory_space<vmem>>
      %dma_start3A_149 = arith.constant 0 : i32
      %dma_start3A_150 = arith.constant 0 : i32
      %dma_start3A_151 = tpu.memref_slice %arg4[%dma_start3A_149, %dma_start3A_150] : memref<10240x128xf32, #tpu.memory_space<hbm>> -> memref<10240x128xf32, #tpu.memory_space<hbm>>
      tpu.enqueue_indirect_dma source(%dma_start3A_151 : memref<10240x128xf32, #tpu.memory_space<hbm>>) target(%arg13 : memref<128x128xf32, #tpu.memory_space<vmem>>) offsets(%dma_start3A_148 : memref<128xi32, #tpu.memory_space<vmem>>) semaphore(%arg18 : memref<!tpu.dma_semaphore, #tpu.memory_space<semaphore_mem>>)
      %mul3A_152 = arith.constant 128 : i32
      %mul3A_153 = arith.muli %add3A_145, %mul3A_152 : i32
      %dma_start3A_154 = tpu.memref_slice %arg12[%mul3A_153] : memref<5120xi32, #tpu.memory_space<vmem>> -> memref<128xi32, #tpu.memory_space<vmem>>
      %dma_start3A_155 = arith.constant 0 : i32
      %dma_start3A_156 = tpu.memref_slice %arg5[%dma_start3A_155] : memref<10240xf32, #tpu.memory_space<hbm>> -> memref<10240xf32, #tpu.memory_space<hbm>>
      tpu.enqueue_indirect_dma source(%dma_start3A_156 : memref<10240xf32, #tpu.memory_space<hbm>>) target(%arg15 : memref<128xf32, #tpu.memory_space<vmem>>) offsets(%dma_start3A_154 : memref<128xi32, #tpu.memory_space<vmem>>) semaphore(%arg20 : memref<!tpu.dma_semaphore, #tpu.memory_space<semaphore_mem>>)
      %mul3A_157 = arith.constant 2 : i32
      %mul3A_158 = arith.muli %mul3A_157, %scan3A_110 : i32
      %add3A_159 = arith.constant 1 : i32
      %add3A_160 = arith.addi %mul3A_158, %add3A_159 : i32
      %dma_wait3A_161 = arith.constant 0 : i32
      %dma_wait3A_162 = arith.constant 0 : i32
      %dma_wait3A_163 = tpu.memref_slice %arg4[%dma_wait3A_161, %dma_wait3A_162] : memref<10240x128xf32, #tpu.memory_space<hbm>> -> memref<128x128xf32, #tpu.memory_space<hbm>>
      %dma_wait3A_164 = arith.constant 0 : i32
      %dma_wait3A_165 = arith.constant 0 : i32
      %dma_wait3A_166 = tpu.memref_slice %arg4[%dma_wait3A_164, %dma_wait3A_165] : memref<10240x128xf32, #tpu.memory_space<hbm>> -> memref<128x128xf32, #tpu.memory_space<hbm>>
      tpu.wait_dma2 semaphore(%arg19 : memref<!tpu.dma_semaphore, #tpu.memory_space<semaphore_mem>>) src(%dma_wait3A_166 : memref<128x128xf32, #tpu.memory_space<hbm>>) dst(%arg14 : memref<128x128xf32, #tpu.memory_space<vmem>>)
      %mul3A_167 = arith.constant 128 : i32
      %mul3A_168 = arith.muli %add3A_160, %mul3A_167 : i32
      "tpu.region"() ({
        %run_scoped3A = tpu.sem_alloc : memref<!tpu.dma_semaphore, #tpu.memory_space<semaphore_mem>>
        %dma_start3A_175 = tpu.memref_slice %arg12[%mul3A_168] : memref<5120xi32, #tpu.memory_space<vmem>> -> memref<128xi32, #tpu.memory_space<vmem>>
        %dma_start3A_176 = arith.constant 0 : i32
        %dma_start3A_177 = arith.constant 0 : i32
        %dma_start3A_178 = tpu.memref_slice %arg9[%dma_start3A_176, %dma_start3A_177] : memref<10240x128xf32, #tpu.memory_space<vmem_shared>> -> memref<10240x128xf32, #tpu.memory_space<vmem_shared>>
        tpu.enqueue_indirect_dma source(%arg14 : memref<128x128xf32, #tpu.memory_space<vmem>>) target(%dma_start3A_178 : memref<10240x128xf32, #tpu.memory_space<vmem_shared>>) offsets(%dma_start3A_175 : memref<128xi32, #tpu.memory_space<vmem>>) semaphore(%run_scoped3A : memref<!tpu.dma_semaphore, #tpu.memory_space<semaphore_mem>>) {add = true}
        %dma_wait3A_179 = tpu.memref_slice %arg12[%mul3A_168] : memref<5120xi32, #tpu.memory_space<vmem>> -> memref<128xi32, #tpu.memory_space<vmem>>
        %dma_wait3A_180 = arith.constant 0 : i32
        %dma_wait3A_181 = arith.constant 0 : i32
        %dma_wait3A_182 = tpu.memref_slice %arg9[%dma_wait3A_180, %dma_wait3A_181] : memref<10240x128xf32, #tpu.memory_space<vmem_shared>> -> memref<10240x128xf32, #tpu.memory_space<vmem_shared>>
        tpu.wait_indirect_dma semaphore(%run_scoped3A : memref<!tpu.dma_semaphore, #tpu.memory_space<semaphore_mem>>) src(%arg14 : memref<128x128xf32, #tpu.memory_space<vmem>>) dst(%dma_wait3A_182 : memref<10240x128xf32, #tpu.memory_space<vmem_shared>>)
        tpu.yield
      }) : () -> ()
      %dma_wait3A_169 = arith.constant 0 : i32
      %dma_wait3A_170 = tpu.memref_slice %arg5[%dma_wait3A_169] : memref<10240xf32, #tpu.memory_space<hbm>> -> memref<128xf32, #tpu.memory_space<hbm>>
      %dma_wait3A_171 = arith.constant 0 : i32
      %dma_wait3A_172 = tpu.memref_slice %arg5[%dma_wait3A_171] : memref<10240xf32, #tpu.memory_space<hbm>> -> memref<128xf32, #tpu.memory_space<hbm>>
      tpu.wait_dma2 semaphore(%arg21 : memref<!tpu.dma_semaphore, #tpu.memory_space<semaphore_mem>>) src(%dma_wait3A_172 : memref<128xf32, #tpu.memory_space<hbm>>) dst(%arg16 : memref<128xf32, #tpu.memory_space<vmem>>)
      %mul3A_173 = arith.constant 128 : i32
      %mul3A_174 = arith.muli %add3A_160, %mul3A_173 : i32
      "tpu.region"() ({
        %run_scoped3A = tpu.sem_alloc : memref<!tpu.dma_semaphore, #tpu.memory_space<semaphore_mem>>
        %dma_start3A_175 = tpu.memref_slice %arg11[%mul3A_174] : memref<5120xi32, #tpu.memory_space<vmem>> -> memref<128xi32, #tpu.memory_space<vmem>>
        %dma_start3A_176 = arith.constant 0 : i32
        %dma_start3A_177 = tpu.memref_slice %arg10[%dma_start3A_176] : memref<10240xf32, #tpu.memory_space<vmem_shared>> -> memref<10240xf32, #tpu.memory_space<vmem_shared>>
        tpu.enqueue_indirect_dma source(%arg16 : memref<128xf32, #tpu.memory_space<vmem>>) target(%dma_start3A_177 : memref<10240xf32, #tpu.memory_space<vmem_shared>>) offsets(%dma_start3A_175 : memref<128xi32, #tpu.memory_space<vmem>>) semaphore(%run_scoped3A : memref<!tpu.dma_semaphore, #tpu.memory_space<semaphore_mem>>) {add = true}
        %dma_wait3A_178 = tpu.memref_slice %arg11[%mul3A_174] : memref<5120xi32, #tpu.memory_space<vmem>> -> memref<128xi32, #tpu.memory_space<vmem>>
        %dma_wait3A_179 = arith.constant 0 : i32
        %dma_wait3A_180 = tpu.memref_slice %arg10[%dma_wait3A_179] : memref<10240xf32, #tpu.memory_space<vmem_shared>> -> memref<10240xf32, #tpu.memory_space<vmem_shared>>
        tpu.wait_indirect_dma semaphore(%run_scoped3A : memref<!tpu.dma_semaphore, #tpu.memory_space<semaphore_mem>>) src(%arg16 : memref<128xf32, #tpu.memory_space<vmem>>) dst(%dma_wait3A_180 : memref<10240xf32, #tpu.memory_space<vmem_shared>>)
        tpu.yield
      }) : () -> ()
    }
    %scan3A_26 = arith.constant 19 : i32
    %dma_start3A_27 = arith.constant 4992 : i32
    %dma_start3A_28 = tpu.memref_slice %arg11[%dma_start3A_27] : memref<5120xi32, #tpu.memory_space<vmem>> -> memref<128xi32, #tpu.memory_space<vmem>>
    %dma_start3A_29 = arith.constant 0 : i32
    %dma_start3A_30 = arith.constant 0 : i32
    %dma_start3A_31 = tpu.memref_slice %arg4[%dma_start3A_29, %dma_start3A_30] : memref<10240x128xf32, #tpu.memory_space<hbm>> -> memref<10240x128xf32, #tpu.memory_space<hbm>>
    tpu.enqueue_indirect_dma source(%dma_start3A_31 : memref<10240x128xf32, #tpu.memory_space<hbm>>) target(%arg14 : memref<128x128xf32, #tpu.memory_space<vmem>>) offsets(%dma_start3A_28 : memref<128xi32, #tpu.memory_space<vmem>>) semaphore(%arg19 : memref<!tpu.dma_semaphore, #tpu.memory_space<semaphore_mem>>)
    %dma_start3A_32 = arith.constant 4992 : i32
    %dma_start3A_33 = tpu.memref_slice %arg12[%dma_start3A_32] : memref<5120xi32, #tpu.memory_space<vmem>> -> memref<128xi32, #tpu.memory_space<vmem>>
    %dma_start3A_34 = arith.constant 0 : i32
    %dma_start3A_35 = tpu.memref_slice %arg5[%dma_start3A_34] : memref<10240xf32, #tpu.memory_space<hbm>> -> memref<10240xf32, #tpu.memory_space<hbm>>
    tpu.enqueue_indirect_dma source(%dma_start3A_35 : memref<10240xf32, #tpu.memory_space<hbm>>) target(%arg16 : memref<128xf32, #tpu.memory_space<vmem>>) offsets(%dma_start3A_33 : memref<128xi32, #tpu.memory_space<vmem>>) semaphore(%arg21 : memref<!tpu.dma_semaphore, #tpu.memory_space<semaphore_mem>>)
    %dma_wait3A = arith.constant 0 : i32
    %dma_wait3A_36 = arith.constant 0 : i32
    %dma_wait3A_37 = tpu.memref_slice %arg4[%dma_wait3A, %dma_wait3A_36] : memref<10240x128xf32, #tpu.memory_space<hbm>> -> memref<128x128xf32, #tpu.memory_space<hbm>>
    %dma_wait3A_38 = arith.constant 0 : i32
    %dma_wait3A_39 = arith.constant 0 : i32
    %dma_wait3A_40 = tpu.memref_slice %arg4[%dma_wait3A_38, %dma_wait3A_39] : memref<10240x128xf32, #tpu.memory_space<hbm>> -> memref<128x128xf32, #tpu.memory_space<hbm>>
    tpu.wait_dma2 semaphore(%arg18 : memref<!tpu.dma_semaphore, #tpu.memory_space<semaphore_mem>>) src(%dma_wait3A_40 : memref<128x128xf32, #tpu.memory_space<hbm>>) dst(%arg13 : memref<128x128xf32, #tpu.memory_space<vmem>>)
    "tpu.region"() ({
      %run_scoped3A = tpu.sem_alloc : memref<!tpu.dma_semaphore, #tpu.memory_space<semaphore_mem>>
      %dma_start3A_110 = arith.constant 4864 : i32
      %dma_start3A_111 = tpu.memref_slice %arg12[%dma_start3A_110] : memref<5120xi32, #tpu.memory_space<vmem>> -> memref<128xi32, #tpu.memory_space<vmem>>
      %dma_start3A_112 = arith.constant 0 : i32
      %dma_start3A_113 = arith.constant 0 : i32
      %dma_start3A_114 = tpu.memref_slice %arg9[%dma_start3A_112, %dma_start3A_113] : memref<10240x128xf32, #tpu.memory_space<vmem_shared>> -> memref<10240x128xf32, #tpu.memory_space<vmem_shared>>
      tpu.enqueue_indirect_dma source(%arg13 : memref<128x128xf32, #tpu.memory_space<vmem>>) target(%dma_start3A_114 : memref<10240x128xf32, #tpu.memory_space<vmem_shared>>) offsets(%dma_start3A_111 : memref<128xi32, #tpu.memory_space<vmem>>) semaphore(%run_scoped3A : memref<!tpu.dma_semaphore, #tpu.memory_space<semaphore_mem>>) {add = true}
      %dma_wait3A_115 = arith.constant 4864 : i32
      %dma_wait3A_116 = tpu.memref_slice %arg12[%dma_wait3A_115] : memref<5120xi32, #tpu.memory_space<vmem>> -> memref<128xi32, #tpu.memory_space<vmem>>
      %dma_wait3A_117 = arith.constant 0 : i32
      %dma_wait3A_118 = arith.constant 0 : i32
      %dma_wait3A_119 = tpu.memref_slice %arg9[%dma_wait3A_117, %dma_wait3A_118] : memref<10240x128xf32, #tpu.memory_space<vmem_shared>> -> memref<10240x128xf32, #tpu.memory_space<vmem_shared>>
      tpu.wait_indirect_dma semaphore(%run_scoped3A : memref<!tpu.dma_semaphore, #tpu.memory_space<semaphore_mem>>) src(%arg13 : memref<128x128xf32, #tpu.memory_space<vmem>>) dst(%dma_wait3A_119 : memref<10240x128xf32, #tpu.memory_space<vmem_shared>>)
      tpu.yield
    }) : () -> ()
    %dma_wait3A_41 = arith.constant 0 : i32
    %dma_wait3A_42 = tpu.memref_slice %arg5[%dma_wait3A_41] : memref<10240xf32, #tpu.memory_space<hbm>> -> memref<128xf32, #tpu.memory_space<hbm>>
    %dma_wait3A_43 = arith.constant 0 : i32
    %dma_wait3A_44 = tpu.memref_slice %arg5[%dma_wait3A_43] : memref<10240xf32, #tpu.memory_space<hbm>> -> memref<128xf32, #tpu.memory_space<hbm>>
    tpu.wait_dma2 semaphore(%arg20 : memref<!tpu.dma_semaphore, #tpu.memory_space<semaphore_mem>>) src(%dma_wait3A_44 : memref<128xf32, #tpu.memory_space<hbm>>) dst(%arg15 : memref<128xf32, #tpu.memory_space<vmem>>)
    "tpu.region"() ({
      %run_scoped3A = tpu.sem_alloc : memref<!tpu.dma_semaphore, #tpu.memory_space<semaphore_mem>>
      %dma_start3A_110 = arith.constant 4864 : i32
      %dma_start3A_111 = tpu.memref_slice %arg11[%dma_start3A_110] : memref<5120xi32, #tpu.memory_space<vmem>> -> memref<128xi32, #tpu.memory_space<vmem>>
      %dma_start3A_112 = arith.constant 0 : i32
      %dma_start3A_113 = tpu.memref_slice %arg10[%dma_start3A_112] : memref<10240xf32, #tpu.memory_space<vmem_shared>> -> memref<10240xf32, #tpu.memory_space<vmem_shared>>
      tpu.enqueue_indirect_dma source(%arg15 : memref<128xf32, #tpu.memory_space<vmem>>) target(%dma_start3A_113 : memref<10240xf32, #tpu.memory_space<vmem_shared>>) offsets(%dma_start3A_111 : memref<128xi32, #tpu.memory_space<vmem>>) semaphore(%run_scoped3A : memref<!tpu.dma_semaphore, #tpu.memory_space<semaphore_mem>>) {add = true}
      %dma_wait3A_114 = arith.constant 4864 : i32
      %dma_wait3A_115 = tpu.memref_slice %arg11[%dma_wait3A_114] : memref<5120xi32, #tpu.memory_space<vmem>> -> memref<128xi32, #tpu.memory_space<vmem>>
      %dma_wait3A_116 = arith.constant 0 : i32
      %dma_wait3A_117 = tpu.memref_slice %arg10[%dma_wait3A_116] : memref<10240xf32, #tpu.memory_space<vmem_shared>> -> memref<10240xf32, #tpu.memory_space<vmem_shared>>
      tpu.wait_indirect_dma semaphore(%run_scoped3A : memref<!tpu.dma_semaphore, #tpu.memory_space<semaphore_mem>>) src(%arg15 : memref<128xf32, #tpu.memory_space<vmem>>) dst(%dma_wait3A_117 : memref<10240xf32, #tpu.memory_space<vmem_shared>>)
      tpu.yield
    }) : () -> ()
    %dma_wait3A_45 = arith.constant 0 : i32
    %dma_wait3A_46 = arith.constant 0 : i32
    %dma_wait3A_47 = tpu.memref_slice %arg4[%dma_wait3A_45, %dma_wait3A_46] : memref<10240x128xf32, #tpu.memory_space<hbm>> -> memref<128x128xf32, #tpu.memory_space<hbm>>
    %dma_wait3A_48 = arith.constant 0 : i32
    %dma_wait3A_49 = arith.constant 0 : i32
    %dma_wait3A_50 = tpu.memref_slice %arg4[%dma_wait3A_48, %dma_wait3A_49] : memref<10240x128xf32, #tpu.memory_space<hbm>> -> memref<128x128xf32, #tpu.memory_space<hbm>>
    tpu.wait_dma2 semaphore(%arg19 : memref<!tpu.dma_semaphore, #tpu.memory_space<semaphore_mem>>) src(%dma_wait3A_50 : memref<128x128xf32, #tpu.memory_space<hbm>>) dst(%arg14 : memref<128x128xf32, #tpu.memory_space<vmem>>)
    "tpu.region"() ({
      %run_scoped3A = tpu.sem_alloc : memref<!tpu.dma_semaphore, #tpu.memory_space<semaphore_mem>>
      %dma_start3A_110 = arith.constant 4992 : i32
      %dma_start3A_111 = tpu.memref_slice %arg12[%dma_start3A_110] : memref<5120xi32, #tpu.memory_space<vmem>> -> memref<128xi32, #tpu.memory_space<vmem>>
      %dma_start3A_112 = arith.constant 0 : i32
      %dma_start3A_113 = arith.constant 0 : i32
      %dma_start3A_114 = tpu.memref_slice %arg9[%dma_start3A_112, %dma_start3A_113] : memref<10240x128xf32, #tpu.memory_space<vmem_shared>> -> memref<10240x128xf32, #tpu.memory_space<vmem_shared>>
      tpu.enqueue_indirect_dma source(%arg14 : memref<128x128xf32, #tpu.memory_space<vmem>>) target(%dma_start3A_114 : memref<10240x128xf32, #tpu.memory_space<vmem_shared>>) offsets(%dma_start3A_111 : memref<128xi32, #tpu.memory_space<vmem>>) semaphore(%run_scoped3A : memref<!tpu.dma_semaphore, #tpu.memory_space<semaphore_mem>>) {add = true}
      %dma_wait3A_115 = arith.constant 4992 : i32
      %dma_wait3A_116 = tpu.memref_slice %arg12[%dma_wait3A_115] : memref<5120xi32, #tpu.memory_space<vmem>> -> memref<128xi32, #tpu.memory_space<vmem>>
      %dma_wait3A_117 = arith.constant 0 : i32
      %dma_wait3A_118 = arith.constant 0 : i32
      %dma_wait3A_119 = tpu.memref_slice %arg9[%dma_wait3A_117, %dma_wait3A_118] : memref<10240x128xf32, #tpu.memory_space<vmem_shared>> -> memref<10240x128xf32, #tpu.memory_space<vmem_shared>>
      tpu.wait_indirect_dma semaphore(%run_scoped3A : memref<!tpu.dma_semaphore, #tpu.memory_space<semaphore_mem>>) src(%arg14 : memref<128x128xf32, #tpu.memory_space<vmem>>) dst(%dma_wait3A_119 : memref<10240x128xf32, #tpu.memory_space<vmem_shared>>)
      tpu.yield
    }) : () -> ()
    %dma_wait3A_51 = arith.constant 0 : i32
    %dma_wait3A_52 = tpu.memref_slice %arg5[%dma_wait3A_51] : memref<10240xf32, #tpu.memory_space<hbm>> -> memref<128xf32, #tpu.memory_space<hbm>>
    %dma_wait3A_53 = arith.constant 0 : i32
    %dma_wait3A_54 = tpu.memref_slice %arg5[%dma_wait3A_53] : memref<10240xf32, #tpu.memory_space<hbm>> -> memref<128xf32, #tpu.memory_space<hbm>>
    tpu.wait_dma2 semaphore(%arg21 : memref<!tpu.dma_semaphore, #tpu.memory_space<semaphore_mem>>) src(%dma_wait3A_54 : memref<128xf32, #tpu.memory_space<hbm>>) dst(%arg16 : memref<128xf32, #tpu.memory_space<vmem>>)
    "tpu.region"() ({
      %run_scoped3A = tpu.sem_alloc : memref<!tpu.dma_semaphore, #tpu.memory_space<semaphore_mem>>
      %dma_start3A_110 = arith.constant 4992 : i32
      %dma_start3A_111 = tpu.memref_slice %arg11[%dma_start3A_110] : memref<5120xi32, #tpu.memory_space<vmem>> -> memref<128xi32, #tpu.memory_space<vmem>>
      %dma_start3A_112 = arith.constant 0 : i32
      %dma_start3A_113 = tpu.memref_slice %arg10[%dma_start3A_112] : memref<10240xf32, #tpu.memory_space<vmem_shared>> -> memref<10240xf32, #tpu.memory_space<vmem_shared>>
      tpu.enqueue_indirect_dma source(%arg16 : memref<128xf32, #tpu.memory_space<vmem>>) target(%dma_start3A_113 : memref<10240xf32, #tpu.memory_space<vmem_shared>>) offsets(%dma_start3A_111 : memref<128xi32, #tpu.memory_space<vmem>>) semaphore(%run_scoped3A : memref<!tpu.dma_semaphore, #tpu.memory_space<semaphore_mem>>) {add = true}
      %dma_wait3A_114 = arith.constant 4992 : i32
      %dma_wait3A_115 = tpu.memref_slice %arg11[%dma_wait3A_114] : memref<5120xi32, #tpu.memory_space<vmem>> -> memref<128xi32, #tpu.memory_space<vmem>>
      %dma_wait3A_116 = arith.constant 0 : i32
      %dma_wait3A_117 = tpu.memref_slice %arg10[%dma_wait3A_116] : memref<10240xf32, #tpu.memory_space<vmem_shared>> -> memref<10240xf32, #tpu.memory_space<vmem_shared>>
      tpu.wait_indirect_dma semaphore(%run_scoped3A : memref<!tpu.dma_semaphore, #tpu.memory_space<semaphore_mem>>) src(%arg16 : memref<128xf32, #tpu.memory_space<vmem>>) dst(%dma_wait3A_117 : memref<10240xf32, #tpu.memory_space<vmem_shared>>)
      tpu.yield
    }) : () -> ()
    %mul3A_55 = arith.constant 10240 : i32
    %mul3A_56 = arith.muli %add3A, %mul3A_55 : i32
    %add3A_57 = arith.constant 5120 : i32
    %add3A_58 = arith.addi %mul3A_56, %add3A_57 : i32
    "tpu.region"() ({
      %run_scoped3A = tpu.sem_alloc : memref<!tpu.dma_semaphore, #tpu.memory_space<semaphore_mem>>
      %dma_start3A_110 = tpu.memref_slice %arg2[%add3A_58] : memref<327680xi32, #tpu.memory_space<hbm>> -> memref<5120xi32, #tpu.memory_space<hbm>>
      %dma_start3A_111 = tpu.memref_slice %arg2[%add3A_58] : memref<327680xi32, #tpu.memory_space<hbm>> -> memref<5120xi32, #tpu.memory_space<hbm>>
      tpu.enqueue_dma source(%dma_start3A_111 : memref<5120xi32, #tpu.memory_space<hbm>>) target(%arg11 : memref<5120xi32, #tpu.memory_space<vmem>>) target_semaphore(%run_scoped3A : memref<!tpu.dma_semaphore, #tpu.memory_space<semaphore_mem>>)
      %dma_wait3A_112 = tpu.memref_slice %arg2[%add3A_58] : memref<327680xi32, #tpu.memory_space<hbm>> -> memref<5120xi32, #tpu.memory_space<hbm>>
      %dma_wait3A_113 = tpu.memref_slice %arg2[%add3A_58] : memref<327680xi32, #tpu.memory_space<hbm>> -> memref<5120xi32, #tpu.memory_space<hbm>>
      tpu.wait_dma2 semaphore(%run_scoped3A : memref<!tpu.dma_semaphore, #tpu.memory_space<semaphore_mem>>) src(%dma_wait3A_113 : memref<5120xi32, #tpu.memory_space<hbm>>) dst(%arg11 : memref<5120xi32, #tpu.memory_space<vmem>>)
      tpu.yield
    }) : () -> ()
    "tpu.region"() ({
      %run_scoped3A = tpu.sem_alloc : memref<!tpu.dma_semaphore, #tpu.memory_space<semaphore_mem>>
      %dma_start3A_110 = tpu.memref_slice %arg3[%add3A_58] : memref<327680xi32, #tpu.memory_space<hbm>> -> memref<5120xi32, #tpu.memory_space<hbm>>
      %dma_start3A_111 = tpu.memref_slice %arg3[%add3A_58] : memref<327680xi32, #tpu.memory_space<hbm>> -> memref<5120xi32, #tpu.memory_space<hbm>>
      tpu.enqueue_dma source(%dma_start3A_111 : memref<5120xi32, #tpu.memory_space<hbm>>) target(%arg12 : memref<5120xi32, #tpu.memory_space<vmem>>) target_semaphore(%run_scoped3A : memref<!tpu.dma_semaphore, #tpu.memory_space<semaphore_mem>>)
      %dma_wait3A_112 = tpu.memref_slice %arg3[%add3A_58] : memref<327680xi32, #tpu.memory_space<hbm>> -> memref<5120xi32, #tpu.memory_space<hbm>>
      %dma_wait3A_113 = tpu.memref_slice %arg3[%add3A_58] : memref<327680xi32, #tpu.memory_space<hbm>> -> memref<5120xi32, #tpu.memory_space<hbm>>
      tpu.wait_dma2 semaphore(%run_scoped3A : memref<!tpu.dma_semaphore, #tpu.memory_space<semaphore_mem>>) src(%dma_wait3A_113 : memref<5120xi32, #tpu.memory_space<hbm>>) dst(%arg12 : memref<5120xi32, #tpu.memory_space<vmem>>)
      tpu.yield
    }) : () -> ()
    %dma_start3A_59 = arith.constant 0 : i32
    %dma_start3A_60 = tpu.memref_slice %arg11[%dma_start3A_59] : memref<5120xi32, #tpu.memory_space<vmem>> -> memref<128xi32, #tpu.memory_space<vmem>>
    %dma_start3A_61 = arith.constant 0 : i32
    %dma_start3A_62 = arith.constant 0 : i32
    %dma_start3A_63 = tpu.memref_slice %arg4[%dma_start3A_61, %dma_start3A_62] : memref<10240x128xf32, #tpu.memory_space<hbm>> -> memref<10240x128xf32, #tpu.memory_space<hbm>>
    tpu.enqueue_indirect_dma source(%dma_start3A_63 : memref<10240x128xf32, #tpu.memory_space<hbm>>) target(%arg13 : memref<128x128xf32, #tpu.memory_space<vmem>>) offsets(%dma_start3A_60 : memref<128xi32, #tpu.memory_space<vmem>>) semaphore(%arg18 : memref<!tpu.dma_semaphore, #tpu.memory_space<semaphore_mem>>)
    %dma_start3A_64 = arith.constant 0 : i32
    %dma_start3A_65 = tpu.memref_slice %arg12[%dma_start3A_64] : memref<5120xi32, #tpu.memory_space<vmem>> -> memref<128xi32, #tpu.memory_space<vmem>>
    %dma_start3A_66 = arith.constant 0 : i32
    %dma_start3A_67 = tpu.memref_slice %arg5[%dma_start3A_66] : memref<10240xf32, #tpu.memory_space<hbm>> -> memref<10240xf32, #tpu.memory_space<hbm>>
    tpu.enqueue_indirect_dma source(%dma_start3A_67 : memref<10240xf32, #tpu.memory_space<hbm>>) target(%arg15 : memref<128xf32, #tpu.memory_space<vmem>>) offsets(%dma_start3A_65 : memref<128xi32, #tpu.memory_space<vmem>>) semaphore(%arg20 : memref<!tpu.dma_semaphore, #tpu.memory_space<semaphore_mem>>)
    %scan3A_68 = arith.constant 0 : i32
    %scan3A_69 = arith.constant 0 : i32
    %scan3A_70 = arith.constant 19 : i32
    %scan3A_71 = arith.addi %scan3A_69, %scan3A_70 : i32
    %scan3A_72 = arith.constant 1 : i32
    scf.for %scan3A_110 = %scan3A_69 to %scan3A_71 step %scan3A_72  : i32 {
      %mul3A_111 = arith.constant 2 : i32
      %mul3A_112 = arith.muli %mul3A_111, %scan3A_110 : i32
      %add3A_113 = arith.constant 1 : i32
      %add3A_114 = arith.addi %mul3A_112, %add3A_113 : i32
      %mul3A_115 = arith.constant 128 : i32
      %mul3A_116 = arith.muli %add3A_114, %mul3A_115 : i32
      %dma_start3A_117 = tpu.memref_slice %arg11[%mul3A_116] : memref<5120xi32, #tpu.memory_space<vmem>> -> memref<128xi32, #tpu.memory_space<vmem>>
      %dma_start3A_118 = arith.constant 0 : i32
      %dma_start3A_119 = arith.constant 0 : i32
      %dma_start3A_120 = tpu.memref_slice %arg4[%dma_start3A_118, %dma_start3A_119] : memref<10240x128xf32, #tpu.memory_space<hbm>> -> memref<10240x128xf32, #tpu.memory_space<hbm>>
      tpu.enqueue_indirect_dma source(%dma_start3A_120 : memref<10240x128xf32, #tpu.memory_space<hbm>>) target(%arg14 : memref<128x128xf32, #tpu.memory_space<vmem>>) offsets(%dma_start3A_117 : memref<128xi32, #tpu.memory_space<vmem>>) semaphore(%arg19 : memref<!tpu.dma_semaphore, #tpu.memory_space<semaphore_mem>>)
      %mul3A_121 = arith.constant 128 : i32
      %mul3A_122 = arith.muli %add3A_114, %mul3A_121 : i32
      %dma_start3A_123 = tpu.memref_slice %arg12[%mul3A_122] : memref<5120xi32, #tpu.memory_space<vmem>> -> memref<128xi32, #tpu.memory_space<vmem>>
      %dma_start3A_124 = arith.constant 0 : i32
      %dma_start3A_125 = tpu.memref_slice %arg5[%dma_start3A_124] : memref<10240xf32, #tpu.memory_space<hbm>> -> memref<10240xf32, #tpu.memory_space<hbm>>
      tpu.enqueue_indirect_dma source(%dma_start3A_125 : memref<10240xf32, #tpu.memory_space<hbm>>) target(%arg16 : memref<128xf32, #tpu.memory_space<vmem>>) offsets(%dma_start3A_123 : memref<128xi32, #tpu.memory_space<vmem>>) semaphore(%arg21 : memref<!tpu.dma_semaphore, #tpu.memory_space<semaphore_mem>>)
      %mul3A_126 = arith.constant 2 : i32
      %mul3A_127 = arith.muli %mul3A_126, %scan3A_110 : i32
      %dma_wait3A_128 = arith.constant 0 : i32
      %dma_wait3A_129 = arith.constant 0 : i32
      %dma_wait3A_130 = tpu.memref_slice %arg4[%dma_wait3A_128, %dma_wait3A_129] : memref<10240x128xf32, #tpu.memory_space<hbm>> -> memref<128x128xf32, #tpu.memory_space<hbm>>
      %dma_wait3A_131 = arith.constant 0 : i32
      %dma_wait3A_132 = arith.constant 0 : i32
      %dma_wait3A_133 = tpu.memref_slice %arg4[%dma_wait3A_131, %dma_wait3A_132] : memref<10240x128xf32, #tpu.memory_space<hbm>> -> memref<128x128xf32, #tpu.memory_space<hbm>>
      tpu.wait_dma2 semaphore(%arg18 : memref<!tpu.dma_semaphore, #tpu.memory_space<semaphore_mem>>) src(%dma_wait3A_133 : memref<128x128xf32, #tpu.memory_space<hbm>>) dst(%arg13 : memref<128x128xf32, #tpu.memory_space<vmem>>)
      %mul3A_134 = arith.constant 128 : i32
      %mul3A_135 = arith.muli %mul3A_127, %mul3A_134 : i32
      "tpu.region"() ({
        %run_scoped3A = tpu.sem_alloc : memref<!tpu.dma_semaphore, #tpu.memory_space<semaphore_mem>>
        %dma_start3A_175 = tpu.memref_slice %arg12[%mul3A_135] : memref<5120xi32, #tpu.memory_space<vmem>> -> memref<128xi32, #tpu.memory_space<vmem>>
        %dma_start3A_176 = arith.constant 0 : i32
        %dma_start3A_177 = arith.constant 0 : i32
        %dma_start3A_178 = tpu.memref_slice %arg9[%dma_start3A_176, %dma_start3A_177] : memref<10240x128xf32, #tpu.memory_space<vmem_shared>> -> memref<10240x128xf32, #tpu.memory_space<vmem_shared>>
        tpu.enqueue_indirect_dma source(%arg13 : memref<128x128xf32, #tpu.memory_space<vmem>>) target(%dma_start3A_178 : memref<10240x128xf32, #tpu.memory_space<vmem_shared>>) offsets(%dma_start3A_175 : memref<128xi32, #tpu.memory_space<vmem>>) semaphore(%run_scoped3A : memref<!tpu.dma_semaphore, #tpu.memory_space<semaphore_mem>>) {add = true}
        %dma_wait3A_179 = tpu.memref_slice %arg12[%mul3A_135] : memref<5120xi32, #tpu.memory_space<vmem>> -> memref<128xi32, #tpu.memory_space<vmem>>
        %dma_wait3A_180 = arith.constant 0 : i32
        %dma_wait3A_181 = arith.constant 0 : i32
        %dma_wait3A_182 = tpu.memref_slice %arg9[%dma_wait3A_180, %dma_wait3A_181] : memref<10240x128xf32, #tpu.memory_space<vmem_shared>> -> memref<10240x128xf32, #tpu.memory_space<vmem_shared>>
        tpu.wait_indirect_dma semaphore(%run_scoped3A : memref<!tpu.dma_semaphore, #tpu.memory_space<semaphore_mem>>) src(%arg13 : memref<128x128xf32, #tpu.memory_space<vmem>>) dst(%dma_wait3A_182 : memref<10240x128xf32, #tpu.memory_space<vmem_shared>>)
        tpu.yield
      }) : () -> ()
      %dma_wait3A_136 = arith.constant 0 : i32
      %dma_wait3A_137 = tpu.memref_slice %arg5[%dma_wait3A_136] : memref<10240xf32, #tpu.memory_space<hbm>> -> memref<128xf32, #tpu.memory_space<hbm>>
      %dma_wait3A_138 = arith.constant 0 : i32
      %dma_wait3A_139 = tpu.memref_slice %arg5[%dma_wait3A_138] : memref<10240xf32, #tpu.memory_space<hbm>> -> memref<128xf32, #tpu.memory_space<hbm>>
      tpu.wait_dma2 semaphore(%arg20 : memref<!tpu.dma_semaphore, #tpu.memory_space<semaphore_mem>>) src(%dma_wait3A_139 : memref<128xf32, #tpu.memory_space<hbm>>) dst(%arg15 : memref<128xf32, #tpu.memory_space<vmem>>)
      %mul3A_140 = arith.constant 128 : i32
      %mul3A_141 = arith.muli %mul3A_127, %mul3A_140 : i32
      "tpu.region"() ({
        %run_scoped3A = tpu.sem_alloc : memref<!tpu.dma_semaphore, #tpu.memory_space<semaphore_mem>>
        %dma_start3A_175 = tpu.memref_slice %arg11[%mul3A_141] : memref<5120xi32, #tpu.memory_space<vmem>> -> memref<128xi32, #tpu.memory_space<vmem>>
        %dma_start3A_176 = arith.constant 0 : i32
        %dma_start3A_177 = tpu.memref_slice %arg10[%dma_start3A_176] : memref<10240xf32, #tpu.memory_space<vmem_shared>> -> memref<10240xf32, #tpu.memory_space<vmem_shared>>
        tpu.enqueue_indirect_dma source(%arg15 : memref<128xf32, #tpu.memory_space<vmem>>) target(%dma_start3A_177 : memref<10240xf32, #tpu.memory_space<vmem_shared>>) offsets(%dma_start3A_175 : memref<128xi32, #tpu.memory_space<vmem>>) semaphore(%run_scoped3A : memref<!tpu.dma_semaphore, #tpu.memory_space<semaphore_mem>>) {add = true}
        %dma_wait3A_178 = tpu.memref_slice %arg11[%mul3A_141] : memref<5120xi32, #tpu.memory_space<vmem>> -> memref<128xi32, #tpu.memory_space<vmem>>
        %dma_wait3A_179 = arith.constant 0 : i32
        %dma_wait3A_180 = tpu.memref_slice %arg10[%dma_wait3A_179] : memref<10240xf32, #tpu.memory_space<vmem_shared>> -> memref<10240xf32, #tpu.memory_space<vmem_shared>>
        tpu.wait_indirect_dma semaphore(%run_scoped3A : memref<!tpu.dma_semaphore, #tpu.memory_space<semaphore_mem>>) src(%arg15 : memref<128xf32, #tpu.memory_space<vmem>>) dst(%dma_wait3A_180 : memref<10240xf32, #tpu.memory_space<vmem_shared>>)
        tpu.yield
      }) : () -> ()
      %mul3A_142 = arith.constant 2 : i32
      %mul3A_143 = arith.muli %mul3A_142, %scan3A_110 : i32
      %add3A_144 = arith.constant 2 : i32
      %add3A_145 = arith.addi %mul3A_143, %add3A_144 : i32
      %mul3A_146 = arith.constant 128 : i32
      %mul3A_147 = arith.muli %add3A_145, %mul3A_146 : i32
      %dma_start3A_148 = tpu.memref_slice %arg11[%mul3A_147] : memref<5120xi32, #tpu.memory_space<vmem>> -> memref<128xi32, #tpu.memory_space<vmem>>
      %dma_start3A_149 = arith.constant 0 : i32
      %dma_start3A_150 = arith.constant 0 : i32
      %dma_start3A_151 = tpu.memref_slice %arg4[%dma_start3A_149, %dma_start3A_150] : memref<10240x128xf32, #tpu.memory_space<hbm>> -> memref<10240x128xf32, #tpu.memory_space<hbm>>
      tpu.enqueue_indirect_dma source(%dma_start3A_151 : memref<10240x128xf32, #tpu.memory_space<hbm>>) target(%arg13 : memref<128x128xf32, #tpu.memory_space<vmem>>) offsets(%dma_start3A_148 : memref<128xi32, #tpu.memory_space<vmem>>) semaphore(%arg18 : memref<!tpu.dma_semaphore, #tpu.memory_space<semaphore_mem>>)
      %mul3A_152 = arith.constant 128 : i32
      %mul3A_153 = arith.muli %add3A_145, %mul3A_152 : i32
      %dma_start3A_154 = tpu.memref_slice %arg12[%mul3A_153] : memref<5120xi32, #tpu.memory_space<vmem>> -> memref<128xi32, #tpu.memory_space<vmem>>
      %dma_start3A_155 = arith.constant 0 : i32
      %dma_start3A_156 = tpu.memref_slice %arg5[%dma_start3A_155] : memref<10240xf32, #tpu.memory_space<hbm>> -> memref<10240xf32, #tpu.memory_space<hbm>>
      tpu.enqueue_indirect_dma source(%dma_start3A_156 : memref<10240xf32, #tpu.memory_space<hbm>>) target(%arg15 : memref<128xf32, #tpu.memory_space<vmem>>) offsets(%dma_start3A_154 : memref<128xi32, #tpu.memory_space<vmem>>) semaphore(%arg20 : memref<!tpu.dma_semaphore, #tpu.memory_space<semaphore_mem>>)
      %mul3A_157 = arith.constant 2 : i32
      %mul3A_158 = arith.muli %mul3A_157, %scan3A_110 : i32
      %add3A_159 = arith.constant 1 : i32
      %add3A_160 = arith.addi %mul3A_158, %add3A_159 : i32
      %dma_wait3A_161 = arith.constant 0 : i32
      %dma_wait3A_162 = arith.constant 0 : i32
      %dma_wait3A_163 = tpu.memref_slice %arg4[%dma_wait3A_161, %dma_wait3A_162] : memref<10240x128xf32, #tpu.memory_space<hbm>> -> memref<128x128xf32, #tpu.memory_space<hbm>>
      %dma_wait3A_164 = arith.constant 0 : i32
      %dma_wait3A_165 = arith.constant 0 : i32
      %dma_wait3A_166 = tpu.memref_slice %arg4[%dma_wait3A_164, %dma_wait3A_165] : memref<10240x128xf32, #tpu.memory_space<hbm>> -> memref<128x128xf32, #tpu.memory_space<hbm>>
      tpu.wait_dma2 semaphore(%arg19 : memref<!tpu.dma_semaphore, #tpu.memory_space<semaphore_mem>>) src(%dma_wait3A_166 : memref<128x128xf32, #tpu.memory_space<hbm>>) dst(%arg14 : memref<128x128xf32, #tpu.memory_space<vmem>>)
      %mul3A_167 = arith.constant 128 : i32
      %mul3A_168 = arith.muli %add3A_160, %mul3A_167 : i32
      "tpu.region"() ({
        %run_scoped3A = tpu.sem_alloc : memref<!tpu.dma_semaphore, #tpu.memory_space<semaphore_mem>>
        %dma_start3A_175 = tpu.memref_slice %arg12[%mul3A_168] : memref<5120xi32, #tpu.memory_space<vmem>> -> memref<128xi32, #tpu.memory_space<vmem>>
        %dma_start3A_176 = arith.constant 0 : i32
        %dma_start3A_177 = arith.constant 0 : i32
        %dma_start3A_178 = tpu.memref_slice %arg9[%dma_start3A_176, %dma_start3A_177] : memref<10240x128xf32, #tpu.memory_space<vmem_shared>> -> memref<10240x128xf32, #tpu.memory_space<vmem_shared>>
        tpu.enqueue_indirect_dma source(%arg14 : memref<128x128xf32, #tpu.memory_space<vmem>>) target(%dma_start3A_178 : memref<10240x128xf32, #tpu.memory_space<vmem_shared>>) offsets(%dma_start3A_175 : memref<128xi32, #tpu.memory_space<vmem>>) semaphore(%run_scoped3A : memref<!tpu.dma_semaphore, #tpu.memory_space<semaphore_mem>>) {add = true}
        %dma_wait3A_179 = tpu.memref_slice %arg12[%mul3A_168] : memref<5120xi32, #tpu.memory_space<vmem>> -> memref<128xi32, #tpu.memory_space<vmem>>
        %dma_wait3A_180 = arith.constant 0 : i32
        %dma_wait3A_181 = arith.constant 0 : i32
        %dma_wait3A_182 = tpu.memref_slice %arg9[%dma_wait3A_180, %dma_wait3A_181] : memref<10240x128xf32, #tpu.memory_space<vmem_shared>> -> memref<10240x128xf32, #tpu.memory_space<vmem_shared>>
        tpu.wait_indirect_dma semaphore(%run_scoped3A : memref<!tpu.dma_semaphore, #tpu.memory_space<semaphore_mem>>) src(%arg14 : memref<128x128xf32, #tpu.memory_space<vmem>>) dst(%dma_wait3A_182 : memref<10240x128xf32, #tpu.memory_space<vmem_shared>>)
        tpu.yield
      }) : () -> ()
      %dma_wait3A_169 = arith.constant 0 : i32
      %dma_wait3A_170 = tpu.memref_slice %arg5[%dma_wait3A_169] : memref<10240xf32, #tpu.memory_space<hbm>> -> memref<128xf32, #tpu.memory_space<hbm>>
      %dma_wait3A_171 = arith.constant 0 : i32
      %dma_wait3A_172 = tpu.memref_slice %arg5[%dma_wait3A_171] : memref<10240xf32, #tpu.memory_space<hbm>> -> memref<128xf32, #tpu.memory_space<hbm>>
      tpu.wait_dma2 semaphore(%arg21 : memref<!tpu.dma_semaphore, #tpu.memory_space<semaphore_mem>>) src(%dma_wait3A_172 : memref<128xf32, #tpu.memory_space<hbm>>) dst(%arg16 : memref<128xf32, #tpu.memory_space<vmem>>)
      %mul3A_173 = arith.constant 128 : i32
      %mul3A_174 = arith.muli %add3A_160, %mul3A_173 : i32
      "tpu.region"() ({
        %run_scoped3A = tpu.sem_alloc : memref<!tpu.dma_semaphore, #tpu.memory_space<semaphore_mem>>
        %dma_start3A_175 = tpu.memref_slice %arg11[%mul3A_174] : memref<5120xi32, #tpu.memory_space<vmem>> -> memref<128xi32, #tpu.memory_space<vmem>>
        %dma_start3A_176 = arith.constant 0 : i32
        %dma_start3A_177 = tpu.memref_slice %arg10[%dma_start3A_176] : memref<10240xf32, #tpu.memory_space<vmem_shared>> -> memref<10240xf32, #tpu.memory_space<vmem_shared>>
        tpu.enqueue_indirect_dma source(%arg16 : memref<128xf32, #tpu.memory_space<vmem>>) target(%dma_start3A_177 : memref<10240xf32, #tpu.memory_space<vmem_shared>>) offsets(%dma_start3A_175 : memref<128xi32, #tpu.memory_space<vmem>>) semaphore(%run_scoped3A : memref<!tpu.dma_semaphore, #tpu.memory_space<semaphore_mem>>) {add = true}
        %dma_wait3A_178 = tpu.memref_slice %arg11[%mul3A_174] : memref<5120xi32, #tpu.memory_space<vmem>> -> memref<128xi32, #tpu.memory_space<vmem>>
        %dma_wait3A_179 = arith.constant 0 : i32
        %dma_wait3A_180 = tpu.memref_slice %arg10[%dma_wait3A_179] : memref<10240xf32, #tpu.memory_space<vmem_shared>> -> memref<10240xf32, #tpu.memory_space<vmem_shared>>
        tpu.wait_indirect_dma semaphore(%run_scoped3A : memref<!tpu.dma_semaphore, #tpu.memory_space<semaphore_mem>>) src(%arg16 : memref<128xf32, #tpu.memory_space<vmem>>) dst(%dma_wait3A_180 : memref<10240xf32, #tpu.memory_space<vmem_shared>>)
        tpu.yield
      }) : () -> ()
    }
    %scan3A_73 = arith.constant 19 : i32
    %dma_start3A_74 = arith.constant 4992 : i32
    %dma_start3A_75 = tpu.memref_slice %arg11[%dma_start3A_74] : memref<5120xi32, #tpu.memory_space<vmem>> -> memref<128xi32, #tpu.memory_space<vmem>>
    %dma_start3A_76 = arith.constant 0 : i32
    %dma_start3A_77 = arith.constant 0 : i32
    %dma_start3A_78 = tpu.memref_slice %arg4[%dma_start3A_76, %dma_start3A_77] : memref<10240x128xf32, #tpu.memory_space<hbm>> -> memref<10240x128xf32, #tpu.memory_space<hbm>>
    tpu.enqueue_indirect_dma source(%dma_start3A_78 : memref<10240x128xf32, #tpu.memory_space<hbm>>) target(%arg14 : memref<128x128xf32, #tpu.memory_space<vmem>>) offsets(%dma_start3A_75 : memref<128xi32, #tpu.memory_space<vmem>>) semaphore(%arg19 : memref<!tpu.dma_semaphore, #tpu.memory_space<semaphore_mem>>)
    %dma_start3A_79 = arith.constant 4992 : i32
    %dma_start3A_80 = tpu.memref_slice %arg12[%dma_start3A_79] : memref<5120xi32, #tpu.memory_space<vmem>> -> memref<128xi32, #tpu.memory_space<vmem>>
    %dma_start3A_81 = arith.constant 0 : i32
    %dma_start3A_82 = tpu.memref_slice %arg5[%dma_start3A_81] : memref<10240xf32, #tpu.memory_space<hbm>> -> memref<10240xf32, #tpu.memory_space<hbm>>
    tpu.enqueue_indirect_dma source(%dma_start3A_82 : memref<10240xf32, #tpu.memory_space<hbm>>) target(%arg16 : memref<128xf32, #tpu.memory_space<vmem>>) offsets(%dma_start3A_80 : memref<128xi32, #tpu.memory_space<vmem>>) semaphore(%arg21 : memref<!tpu.dma_semaphore, #tpu.memory_space<semaphore_mem>>)
    %dma_wait3A_83 = arith.constant 0 : i32
    %dma_wait3A_84 = arith.constant 0 : i32
    %dma_wait3A_85 = tpu.memref_slice %arg4[%dma_wait3A_83, %dma_wait3A_84] : memref<10240x128xf32, #tpu.memory_space<hbm>> -> memref<128x128xf32, #tpu.memory_space<hbm>>
    %dma_wait3A_86 = arith.constant 0 : i32
    %dma_wait3A_87 = arith.constant 0 : i32
    %dma_wait3A_88 = tpu.memref_slice %arg4[%dma_wait3A_86, %dma_wait3A_87] : memref<10240x128xf32, #tpu.memory_space<hbm>> -> memref<128x128xf32, #tpu.memory_space<hbm>>
    tpu.wait_dma2 semaphore(%arg18 : memref<!tpu.dma_semaphore, #tpu.memory_space<semaphore_mem>>) src(%dma_wait3A_88 : memref<128x128xf32, #tpu.memory_space<hbm>>) dst(%arg13 : memref<128x128xf32, #tpu.memory_space<vmem>>)
    "tpu.region"() ({
      %run_scoped3A = tpu.sem_alloc : memref<!tpu.dma_semaphore, #tpu.memory_space<semaphore_mem>>
      %dma_start3A_110 = arith.constant 4864 : i32
      %dma_start3A_111 = tpu.memref_slice %arg12[%dma_start3A_110] : memref<5120xi32, #tpu.memory_space<vmem>> -> memref<128xi32, #tpu.memory_space<vmem>>
      %dma_start3A_112 = arith.constant 0 : i32
      %dma_start3A_113 = arith.constant 0 : i32
      %dma_start3A_114 = tpu.memref_slice %arg9[%dma_start3A_112, %dma_start3A_113] : memref<10240x128xf32, #tpu.memory_space<vmem_shared>> -> memref<10240x128xf32, #tpu.memory_space<vmem_shared>>
      tpu.enqueue_indirect_dma source(%arg13 : memref<128x128xf32, #tpu.memory_space<vmem>>) target(%dma_start3A_114 : memref<10240x128xf32, #tpu.memory_space<vmem_shared>>) offsets(%dma_start3A_111 : memref<128xi32, #tpu.memory_space<vmem>>) semaphore(%run_scoped3A : memref<!tpu.dma_semaphore, #tpu.memory_space<semaphore_mem>>) {add = true}
      %dma_wait3A_115 = arith.constant 4864 : i32
      %dma_wait3A_116 = tpu.memref_slice %arg12[%dma_wait3A_115] : memref<5120xi32, #tpu.memory_space<vmem>> -> memref<128xi32, #tpu.memory_space<vmem>>
      %dma_wait3A_117 = arith.constant 0 : i32
      %dma_wait3A_118 = arith.constant 0 : i32
      %dma_wait3A_119 = tpu.memref_slice %arg9[%dma_wait3A_117, %dma_wait3A_118] : memref<10240x128xf32, #tpu.memory_space<vmem_shared>> -> memref<10240x128xf32, #tpu.memory_space<vmem_shared>>
      tpu.wait_indirect_dma semaphore(%run_scoped3A : memref<!tpu.dma_semaphore, #tpu.memory_space<semaphore_mem>>) src(%arg13 : memref<128x128xf32, #tpu.memory_space<vmem>>) dst(%dma_wait3A_119 : memref<10240x128xf32, #tpu.memory_space<vmem_shared>>)
      tpu.yield
    }) : () -> ()
    %dma_wait3A_89 = arith.constant 0 : i32
    %dma_wait3A_90 = tpu.memref_slice %arg5[%dma_wait3A_89] : memref<10240xf32, #tpu.memory_space<hbm>> -> memref<128xf32, #tpu.memory_space<hbm>>
    %dma_wait3A_91 = arith.constant 0 : i32
    %dma_wait3A_92 = tpu.memref_slice %arg5[%dma_wait3A_91] : memref<10240xf32, #tpu.memory_space<hbm>> -> memref<128xf32, #tpu.memory_space<hbm>>
    tpu.wait_dma2 semaphore(%arg20 : memref<!tpu.dma_semaphore, #tpu.memory_space<semaphore_mem>>) src(%dma_wait3A_92 : memref<128xf32, #tpu.memory_space<hbm>>) dst(%arg15 : memref<128xf32, #tpu.memory_space<vmem>>)
    "tpu.region"() ({
      %run_scoped3A = tpu.sem_alloc : memref<!tpu.dma_semaphore, #tpu.memory_space<semaphore_mem>>
      %dma_start3A_110 = arith.constant 4864 : i32
      %dma_start3A_111 = tpu.memref_slice %arg11[%dma_start3A_110] : memref<5120xi32, #tpu.memory_space<vmem>> -> memref<128xi32, #tpu.memory_space<vmem>>
      %dma_start3A_112 = arith.constant 0 : i32
      %dma_start3A_113 = tpu.memref_slice %arg10[%dma_start3A_112] : memref<10240xf32, #tpu.memory_space<vmem_shared>> -> memref<10240xf32, #tpu.memory_space<vmem_shared>>
      tpu.enqueue_indirect_dma source(%arg15 : memref<128xf32, #tpu.memory_space<vmem>>) target(%dma_start3A_113 : memref<10240xf32, #tpu.memory_space<vmem_shared>>) offsets(%dma_start3A_111 : memref<128xi32, #tpu.memory_space<vmem>>) semaphore(%run_scoped3A : memref<!tpu.dma_semaphore, #tpu.memory_space<semaphore_mem>>) {add = true}
      %dma_wait3A_114 = arith.constant 4864 : i32
      %dma_wait3A_115 = tpu.memref_slice %arg11[%dma_wait3A_114] : memref<5120xi32, #tpu.memory_space<vmem>> -> memref<128xi32, #tpu.memory_space<vmem>>
      %dma_wait3A_116 = arith.constant 0 : i32
      %dma_wait3A_117 = tpu.memref_slice %arg10[%dma_wait3A_116] : memref<10240xf32, #tpu.memory_space<vmem_shared>> -> memref<10240xf32, #tpu.memory_space<vmem_shared>>
      tpu.wait_indirect_dma semaphore(%run_scoped3A : memref<!tpu.dma_semaphore, #tpu.memory_space<semaphore_mem>>) src(%arg15 : memref<128xf32, #tpu.memory_space<vmem>>) dst(%dma_wait3A_117 : memref<10240xf32, #tpu.memory_space<vmem_shared>>)
      tpu.yield
    }) : () -> ()
    %dma_wait3A_93 = arith.constant 0 : i32
    %dma_wait3A_94 = arith.constant 0 : i32
    %dma_wait3A_95 = tpu.memref_slice %arg4[%dma_wait3A_93, %dma_wait3A_94] : memref<10240x128xf32, #tpu.memory_space<hbm>> -> memref<128x128xf32, #tpu.memory_space<hbm>>
    %dma_wait3A_96 = arith.constant 0 : i32
    %dma_wait3A_97 = arith.constant 0 : i32
    %dma_wait3A_98 = tpu.memref_slice %arg4[%dma_wait3A_96, %dma_wait3A_97] : memref<10240x128xf32, #tpu.memory_space<hbm>> -> memref<128x128xf32, #tpu.memory_space<hbm>>
    tpu.wait_dma2 semaphore(%arg19 : memref<!tpu.dma_semaphore, #tpu.memory_space<semaphore_mem>>) src(%dma_wait3A_98 : memref<128x128xf32, #tpu.memory_space<hbm>>) dst(%arg14 : memref<128x128xf32, #tpu.memory_space<vmem>>)
    "tpu.region"() ({
      %run_scoped3A = tpu.sem_alloc : memref<!tpu.dma_semaphore, #tpu.memory_space<semaphore_mem>>
      %dma_start3A_110 = arith.constant 4992 : i32
      %dma_start3A_111 = tpu.memref_slice %arg12[%dma_start3A_110] : memref<5120xi32, #tpu.memory_space<vmem>> -> memref<128xi32, #tpu.memory_space<vmem>>
      %dma_start3A_112 = arith.constant 0 : i32
      %dma_start3A_113 = arith.constant 0 : i32
      %dma_start3A_114 = tpu.memref_slice %arg9[%dma_start3A_112, %dma_start3A_113] : memref<10240x128xf32, #tpu.memory_space<vmem_shared>> -> memref<10240x128xf32, #tpu.memory_space<vmem_shared>>
      tpu.enqueue_indirect_dma source(%arg14 : memref<128x128xf32, #tpu.memory_space<vmem>>) target(%dma_start3A_114 : memref<10240x128xf32, #tpu.memory_space<vmem_shared>>) offsets(%dma_start3A_111 : memref<128xi32, #tpu.memory_space<vmem>>) semaphore(%run_scoped3A : memref<!tpu.dma_semaphore, #tpu.memory_space<semaphore_mem>>) {add = true}
      %dma_wait3A_115 = arith.constant 4992 : i32
      %dma_wait3A_116 = tpu.memref_slice %arg12[%dma_wait3A_115] : memref<5120xi32, #tpu.memory_space<vmem>> -> memref<128xi32, #tpu.memory_space<vmem>>
      %dma_wait3A_117 = arith.constant 0 : i32
      %dma_wait3A_118 = arith.constant 0 : i32
      %dma_wait3A_119 = tpu.memref_slice %arg9[%dma_wait3A_117, %dma_wait3A_118] : memref<10240x128xf32, #tpu.memory_space<vmem_shared>> -> memref<10240x128xf32, #tpu.memory_space<vmem_shared>>
      tpu.wait_indirect_dma semaphore(%run_scoped3A : memref<!tpu.dma_semaphore, #tpu.memory_space<semaphore_mem>>) src(%arg14 : memref<128x128xf32, #tpu.memory_space<vmem>>) dst(%dma_wait3A_119 : memref<10240x128xf32, #tpu.memory_space<vmem_shared>>)
      tpu.yield
    }) : () -> ()
    %dma_wait3A_99 = arith.constant 0 : i32
    %dma_wait3A_100 = tpu.memref_slice %arg5[%dma_wait3A_99] : memref<10240xf32, #tpu.memory_space<hbm>> -> memref<128xf32, #tpu.memory_space<hbm>>
    %dma_wait3A_101 = arith.constant 0 : i32
    %dma_wait3A_102 = tpu.memref_slice %arg5[%dma_wait3A_101] : memref<10240xf32, #tpu.memory_space<hbm>> -> memref<128xf32, #tpu.memory_space<hbm>>
    tpu.wait_dma2 semaphore(%arg21 : memref<!tpu.dma_semaphore, #tpu.memory_space<semaphore_mem>>) src(%dma_wait3A_102 : memref<128xf32, #tpu.memory_space<hbm>>) dst(%arg16 : memref<128xf32, #tpu.memory_space<vmem>>)
    "tpu.region"() ({
      %run_scoped3A = tpu.sem_alloc : memref<!tpu.dma_semaphore, #tpu.memory_space<semaphore_mem>>
      %dma_start3A_110 = arith.constant 4992 : i32
      %dma_start3A_111 = tpu.memref_slice %arg11[%dma_start3A_110] : memref<5120xi32, #tpu.memory_space<vmem>> -> memref<128xi32, #tpu.memory_space<vmem>>
      %dma_start3A_112 = arith.constant 0 : i32
      %dma_start3A_113 = tpu.memref_slice %arg10[%dma_start3A_112] : memref<10240xf32, #tpu.memory_space<vmem_shared>> -> memref<10240xf32, #tpu.memory_space<vmem_shared>>
      tpu.enqueue_indirect_dma source(%arg16 : memref<128xf32, #tpu.memory_space<vmem>>) target(%dma_start3A_113 : memref<10240xf32, #tpu.memory_space<vmem_shared>>) offsets(%dma_start3A_111 : memref<128xi32, #tpu.memory_space<vmem>>) semaphore(%run_scoped3A : memref<!tpu.dma_semaphore, #tpu.memory_space<semaphore_mem>>) {add = true}
      %dma_wait3A_114 = arith.constant 4992 : i32
      %dma_wait3A_115 = tpu.memref_slice %arg11[%dma_wait3A_114] : memref<5120xi32, #tpu.memory_space<vmem>> -> memref<128xi32, #tpu.memory_space<vmem>>
      %dma_wait3A_116 = arith.constant 0 : i32
      %dma_wait3A_117 = tpu.memref_slice %arg10[%dma_wait3A_116] : memref<10240xf32, #tpu.memory_space<vmem_shared>> -> memref<10240xf32, #tpu.memory_space<vmem_shared>>
      tpu.wait_indirect_dma semaphore(%run_scoped3A : memref<!tpu.dma_semaphore, #tpu.memory_space<semaphore_mem>>) src(%arg16 : memref<128xf32, #tpu.memory_space<vmem>>) dst(%dma_wait3A_117 : memref<10240xf32, #tpu.memory_space<vmem_shared>>)
      tpu.yield
    }) : () -> ()
    %barrier3A_103 = arith.constant 0 : index
    tpu.barrier barrier_id(%barrier3A_103)
    %mul3A_104 = arith.constant 10240 : i32
    %mul3A_105 = arith.muli %arg0, %mul3A_104 : i32
    %add3A_106 = arith.addi %mul3A_105, %mul3A_2 : i32
    "tpu.region"() ({
      %run_scoped3A = tpu.sem_alloc : memref<!tpu.dma_semaphore, #tpu.memory_space<semaphore_mem>>
      %dma_start3A_110 = arith.constant 0 : i32
      %dma_start3A_111 = tpu.memref_slice %arg7[%add3A_106, %dma_start3A_110] : memref<20480x128xf32, #tpu.memory_space<hbm>> -> memref<640x128xf32, #tpu.memory_space<hbm>>
      %dma_start3A_112 = arith.constant 0 : i32
      %dma_start3A_113 = tpu.memref_slice %arg9[%mul3A_2, %dma_start3A_112] : memref<10240x128xf32, #tpu.memory_space<vmem_shared>> -> memref<640x128xf32, #tpu.memory_space<vmem_shared>>
      tpu.enqueue_dma source(%dma_start3A_113 : memref<640x128xf32, #tpu.memory_space<vmem_shared>>) target(%dma_start3A_111 : memref<640x128xf32, #tpu.memory_space<hbm>>) target_semaphore(%run_scoped3A : memref<!tpu.dma_semaphore, #tpu.memory_space<semaphore_mem>>)
      %dma_wait3A_114 = arith.constant 0 : i32
      %dma_wait3A_115 = tpu.memref_slice %arg7[%add3A_106, %dma_wait3A_114] : memref<20480x128xf32, #tpu.memory_space<hbm>> -> memref<640x128xf32, #tpu.memory_space<hbm>>
      %dma_wait3A_116 = arith.constant 0 : i32
      %dma_wait3A_117 = tpu.memref_slice %arg9[%mul3A_2, %dma_wait3A_116] : memref<10240x128xf32, #tpu.memory_space<vmem_shared>> -> memref<640x128xf32, #tpu.memory_space<vmem_shared>>
      tpu.wait_dma2 semaphore(%run_scoped3A : memref<!tpu.dma_semaphore, #tpu.memory_space<semaphore_mem>>) src(%dma_wait3A_117 : memref<640x128xf32, #tpu.memory_space<vmem_shared>>) dst(%dma_wait3A_115 : memref<640x128xf32, #tpu.memory_space<hbm>>)
      tpu.yield
    }) : () -> ()
    %mul3A_107 = arith.constant 10240 : i32
    %mul3A_108 = arith.muli %arg0, %mul3A_107 : i32
    %add3A_109 = arith.addi %mul3A_108, %mul3A_2 : i32
    "tpu.region"() ({
      %run_scoped3A = tpu.sem_alloc : memref<!tpu.dma_semaphore, #tpu.memory_space<semaphore_mem>>
      %dma_start3A_110 = tpu.memref_slice %arg8[%add3A_109] : memref<20480xf32, #tpu.memory_space<hbm>> -> memref<640xf32, #tpu.memory_space<hbm>>
      %dma_start3A_111 = tpu.memref_slice %arg10[%mul3A_2] : memref<10240xf32, #tpu.memory_space<vmem_shared>> -> memref<640xf32, #tpu.memory_space<vmem_shared>>
      tpu.enqueue_dma source(%dma_start3A_111 : memref<640xf32, #tpu.memory_space<vmem_shared>>) target(%dma_start3A_110 : memref<640xf32, #tpu.memory_space<hbm>>) target_semaphore(%run_scoped3A : memref<!tpu.dma_semaphore, #tpu.memory_space<semaphore_mem>>)
      %dma_wait3A_112 = tpu.memref_slice %arg8[%add3A_109] : memref<20480xf32, #tpu.memory_space<hbm>> -> memref<640xf32, #tpu.memory_space<hbm>>
      %dma_wait3A_113 = tpu.memref_slice %arg10[%mul3A_2] : memref<10240xf32, #tpu.memory_space<vmem_shared>> -> memref<640xf32, #tpu.memory_space<vmem_shared>>
      tpu.wait_dma2 semaphore(%run_scoped3A : memref<!tpu.dma_semaphore, #tpu.memory_space<semaphore_mem>>) src(%dma_wait3A_113 : memref<640xf32, #tpu.memory_space<vmem_shared>>) dst(%dma_wait3A_112 : memref<640xf32, #tpu.memory_space<hbm>>)
      tpu.yield
    }) : () -> ()
    return
  }
}

#map = affine_map<(d0, d1) -> (0)>
module attributes {stable_mosaic.version = 14 : i64} {
  func.func @_deg_kernel(%arg0: i32, %arg1: i32, %arg2: memref<327680xi32, #tpu.memory_space<hbm>>, %arg3: memref<20480xf32, #tpu.memory_space<hbm>>, %arg4: memref<10240xf32, #tpu.memory_space<vmem_shared>>, %arg5: memref<10240xi32, #tpu.memory_space<vmem>>, %arg6: memref<128xf32, #tpu.memory_space<vmem>>, %arg7: memref<640xf32, #tpu.memory_space<vmem>>) attributes {dimension_semantics = [#tpu.dimension_semantics<core_parallel>, #tpu.dimension_semantics<subcore_parallel>], iteration_bounds = array<i64: 2, 16>, scalar_prefetch = 0 : i64, scratch_operands = 4 : i64, tpu.core_type = #tpu.core_type<sc_vector_subcore>, window_params = [{transform_indices = #map}, {transform_indices = #map}]} {
    %mul3A = arith.constant 2 : i32
    %mul3A_0 = arith.muli %arg1, %mul3A : i32
    %add3A = arith.addi %mul3A_0, %arg0 : i32
    %broadcast_in_dim3A = arith.constant 1.000000e+00 : f32
    %broadcast_in_dim3A_1 = vector.broadcast %broadcast_in_dim3A : f32 to vector<16xf32>
    %swap3A = arith.constant 0 : index
    %swap3A_2 = tpu.vector_load %arg6[%swap3A] {strides = array<i32>} : memref<128xf32, #tpu.memory_space<vmem>>, vector<16xf32>,
    %swap3A_3 = vector.shape_cast %swap3A_2 : vector<16xf32> to vector<16xf32>
    %swap3A_4 = vector.shape_cast %broadcast_in_dim3A_1 : vector<16xf32> to vector<16xf32>
    tpu.vector_store %arg6[%swap3A], %swap3A_4 {strides = array<i32>} : memref<128xf32, #tpu.memory_space<vmem>>, vector<16xf32>,
    %swap3A_5 = arith.constant 16 : index
    %swap3A_6 = tpu.vector_load %arg6[%swap3A_5] {strides = array<i32>} : memref<128xf32, #tpu.memory_space<vmem>>, vector<16xf32>,
    %swap3A_7 = vector.shape_cast %swap3A_6 : vector<16xf32> to vector<16xf32>
    %swap3A_8 = vector.shape_cast %broadcast_in_dim3A_1 : vector<16xf32> to vector<16xf32>
    tpu.vector_store %arg6[%swap3A_5], %swap3A_8 {strides = array<i32>} : memref<128xf32, #tpu.memory_space<vmem>>, vector<16xf32>,
    %swap3A_9 = arith.constant 32 : index
    %swap3A_10 = tpu.vector_load %arg6[%swap3A_9] {strides = array<i32>} : memref<128xf32, #tpu.memory_space<vmem>>, vector<16xf32>,
    %swap3A_11 = vector.shape_cast %swap3A_10 : vector<16xf32> to vector<16xf32>
    %swap3A_12 = vector.shape_cast %broadcast_in_dim3A_1 : vector<16xf32> to vector<16xf32>
    tpu.vector_store %arg6[%swap3A_9], %swap3A_12 {strides = array<i32>} : memref<128xf32, #tpu.memory_space<vmem>>, vector<16xf32>,
    %swap3A_13 = arith.constant 48 : index
    %swap3A_14 = tpu.vector_load %arg6[%swap3A_13] {strides = array<i32>} : memref<128xf32, #tpu.memory_space<vmem>>, vector<16xf32>,
    %swap3A_15 = vector.shape_cast %swap3A_14 : vector<16xf32> to vector<16xf32>
    %swap3A_16 = vector.shape_cast %broadcast_in_dim3A_1 : vector<16xf32> to vector<16xf32>
    tpu.vector_store %arg6[%swap3A_13], %swap3A_16 {strides = array<i32>} : memref<128xf32, #tpu.memory_space<vmem>>, vector<16xf32>,
    %swap3A_17 = arith.constant 64 : index
    %swap3A_18 = tpu.vector_load %arg6[%swap3A_17] {strides = array<i32>} : memref<128xf32, #tpu.memory_space<vmem>>, vector<16xf32>,
    %swap3A_19 = vector.shape_cast %swap3A_18 : vector<16xf32> to vector<16xf32>
    %swap3A_20 = vector.shape_cast %broadcast_in_dim3A_1 : vector<16xf32> to vector<16xf32>
    tpu.vector_store %arg6[%swap3A_17], %swap3A_20 {strides = array<i32>} : memref<128xf32, #tpu.memory_space<vmem>>, vector<16xf32>,
    %swap3A_21 = arith.constant 80 : index
    %swap3A_22 = tpu.vector_load %arg6[%swap3A_21] {strides = array<i32>} : memref<128xf32, #tpu.memory_space<vmem>>, vector<16xf32>,
    %swap3A_23 = vector.shape_cast %swap3A_22 : vector<16xf32> to vector<16xf32>
    %swap3A_24 = vector.shape_cast %broadcast_in_dim3A_1 : vector<16xf32> to vector<16xf32>
    tpu.vector_store %arg6[%swap3A_21], %swap3A_24 {strides = array<i32>} : memref<128xf32, #tpu.memory_space<vmem>>, vector<16xf32>,
    %swap3A_25 = arith.constant 96 : index
    %swap3A_26 = tpu.vector_load %arg6[%swap3A_25] {strides = array<i32>} : memref<128xf32, #tpu.memory_space<vmem>>, vector<16xf32>,
    %swap3A_27 = vector.shape_cast %swap3A_26 : vector<16xf32> to vector<16xf32>
    %swap3A_28 = vector.shape_cast %broadcast_in_dim3A_1 : vector<16xf32> to vector<16xf32>
    tpu.vector_store %arg6[%swap3A_25], %swap3A_28 {strides = array<i32>} : memref<128xf32, #tpu.memory_space<vmem>>, vector<16xf32>,
    %swap3A_29 = arith.constant 112 : index
    %swap3A_30 = tpu.vector_load %arg6[%swap3A_29] {strides = array<i32>} : memref<128xf32, #tpu.memory_space<vmem>>, vector<16xf32>,
    %swap3A_31 = vector.shape_cast %swap3A_30 : vector<16xf32> to vector<16xf32>
    %swap3A_32 = vector.shape_cast %broadcast_in_dim3A_1 : vector<16xf32> to vector<16xf32>
    tpu.vector_store %arg6[%swap3A_29], %swap3A_32 {strides = array<i32>} : memref<128xf32, #tpu.memory_space<vmem>>, vector<16xf32>,
    %broadcast_in_dim3A_33 = arith.constant 0.000000e+00 : f32
    %broadcast_in_dim3A_34 = vector.broadcast %broadcast_in_dim3A_33 : f32 to vector<16xf32>
    %scan3A = arith.constant 0 : i32
    %scan3A_35 = arith.constant 0 : i32
    %scan3A_36 = arith.constant 40 : i32
    %scan3A_37 = arith.addi %scan3A_35, %scan3A_36 : i32
    %scan3A_38 = arith.constant 1 : i32
    scf.for %scan3A_58 = %scan3A_35 to %scan3A_37 step %scan3A_38  : i32 {
      %mul3A_59 = arith.constant 16 : i32
      %mul3A_60 = arith.muli %scan3A_58, %mul3A_59 : i32
      %swap3A_61 = arith.index_cast %mul3A_60 : i32 to index
      %swap3A_62 = tpu.vector_load %arg7[%swap3A_61] {strides = array<i32>} : memref<640xf32, #tpu.memory_space<vmem>>, vector<16xf32>,
      %swap3A_63 = vector.shape_cast %swap3A_62 : vector<16xf32> to vector<16xf32>
      %swap3A_64 = vector.shape_cast %broadcast_in_dim3A_34 : vector<16xf32> to vector<16xf32>
      tpu.vector_store %arg7[%swap3A_61], %swap3A_64 {strides = array<i32>} : memref<640xf32, #tpu.memory_space<vmem>>, vector<16xf32>,
    }
    %scan3A_39 = arith.constant 40 : i32
    %mul3A_40 = arith.constant 10240 : i32
    %mul3A_41 = arith.muli %add3A, %mul3A_40 : i32
    "tpu.region"() ({
      %run_scoped3A = tpu.sem_alloc : memref<!tpu.dma_semaphore, #tpu.memory_space<semaphore_mem>>
      %dma_start3A = tpu.memref_slice %arg2[%mul3A_41] : memref<327680xi32, #tpu.memory_space<hbm>> -> memref<10240xi32, #tpu.memory_space<hbm>>
      %dma_start3A_58 = tpu.memref_slice %arg2[%mul3A_41] : memref<327680xi32, #tpu.memory_space<hbm>> -> memref<10240xi32, #tpu.memory_space<hbm>>
      tpu.enqueue_dma source(%dma_start3A_58 : memref<10240xi32, #tpu.memory_space<hbm>>) target(%arg5 : memref<10240xi32, #tpu.memory_space<vmem>>) target_semaphore(%run_scoped3A : memref<!tpu.dma_semaphore, #tpu.memory_space<semaphore_mem>>)
      %dma_wait3A = tpu.memref_slice %arg2[%mul3A_41] : memref<327680xi32, #tpu.memory_space<hbm>> -> memref<10240xi32, #tpu.memory_space<hbm>>
      %dma_wait3A_59 = tpu.memref_slice %arg2[%mul3A_41] : memref<327680xi32, #tpu.memory_space<hbm>> -> memref<10240xi32, #tpu.memory_space<hbm>>
      tpu.wait_dma2 semaphore(%run_scoped3A : memref<!tpu.dma_semaphore, #tpu.memory_space<semaphore_mem>>) src(%dma_wait3A_59 : memref<10240xi32, #tpu.memory_space<hbm>>) dst(%arg5 : memref<10240xi32, #tpu.memory_space<vmem>>)
      tpu.yield
    }) : () -> ()
    %mul3A_42 = arith.constant 640 : i32
    %mul3A_43 = arith.muli %arg1, %mul3A_42 : i32
    "tpu.region"() ({
      %run_scoped3A = tpu.sem_alloc : memref<!tpu.dma_semaphore, #tpu.memory_space<semaphore_mem>>
      %dma_start3A = tpu.memref_slice %arg4[%mul3A_43] : memref<10240xf32, #tpu.memory_space<vmem_shared>> -> memref<640xf32, #tpu.memory_space<vmem_shared>>
      %dma_start3A_58 = tpu.memref_slice %arg4[%mul3A_43] : memref<10240xf32, #tpu.memory_space<vmem_shared>> -> memref<640xf32, #tpu.memory_space<vmem_shared>>
      tpu.enqueue_dma source(%arg7 : memref<640xf32, #tpu.memory_space<vmem>>) target(%dma_start3A_58 : memref<640xf32, #tpu.memory_space<vmem_shared>>) target_semaphore(%run_scoped3A : memref<!tpu.dma_semaphore, #tpu.memory_space<semaphore_mem>>)
      %dma_wait3A = tpu.memref_slice %arg4[%mul3A_43] : memref<10240xf32, #tpu.memory_space<vmem_shared>> -> memref<640xf32, #tpu.memory_space<vmem_shared>>
      %dma_wait3A_59 = tpu.memref_slice %arg4[%mul3A_43] : memref<10240xf32, #tpu.memory_space<vmem_shared>> -> memref<640xf32, #tpu.memory_space<vmem_shared>>
      tpu.wait_dma2 semaphore(%run_scoped3A : memref<!tpu.dma_semaphore, #tpu.memory_space<semaphore_mem>>) src(%arg7 : memref<640xf32, #tpu.memory_space<vmem>>) dst(%dma_wait3A_59 : memref<640xf32, #tpu.memory_space<vmem_shared>>)
      tpu.yield
    }) : () -> ()
    %barrier3A = arith.constant 0 : index
    tpu.barrier barrier_id(%barrier3A)
    %scan3A_44 = arith.constant 0 : i32
    %scan3A_45 = arith.constant 0 : i32
    %scan3A_46 = arith.constant 80 : i32
    %scan3A_47 = arith.addi %scan3A_45, %scan3A_46 : i32
    %scan3A_48 = arith.constant 1 : i32
    scf.for %scan3A_58 = %scan3A_45 to %scan3A_47 step %scan3A_48  : i32 {
      %mul3A_59 = arith.constant 128 : i32
      %mul3A_60 = arith.muli %scan3A_58, %mul3A_59 : i32
      "tpu.region"() ({
        %run_scoped3A = tpu.sem_alloc : memref<!tpu.dma_semaphore, #tpu.memory_space<semaphore_mem>>
        %dma_start3A = tpu.memref_slice %arg5[%mul3A_60] : memref<10240xi32, #tpu.memory_space<vmem>> -> memref<128xi32, #tpu.memory_space<vmem>>
        %dma_start3A_61 = arith.constant 0 : i32
        %dma_start3A_62 = tpu.memref_slice %arg4[%dma_start3A_61] : memref<10240xf32, #tpu.memory_space<vmem_shared>> -> memref<10240xf32, #tpu.memory_space<vmem_shared>>
        tpu.enqueue_indirect_dma source(%arg6 : memref<128xf32, #tpu.memory_space<vmem>>) target(%dma_start3A_62 : memref<10240xf32, #tpu.memory_space<vmem_shared>>) offsets(%dma_start3A : memref<128xi32, #tpu.memory_space<vmem>>) semaphore(%run_scoped3A : memref<!tpu.dma_semaphore, #tpu.memory_space<semaphore_mem>>) {add = true}
        %dma_wait3A = tpu.memref_slice %arg5[%mul3A_60] : memref<10240xi32, #tpu.memory_space<vmem>> -> memref<128xi32, #tpu.memory_space<vmem>>
        %dma_wait3A_63 = arith.constant 0 : i32
        %dma_wait3A_64 = tpu.memref_slice %arg4[%dma_wait3A_63] : memref<10240xf32, #tpu.memory_space<vmem_shared>> -> memref<10240xf32, #tpu.memory_space<vmem_shared>>
        tpu.wait_indirect_dma semaphore(%run_scoped3A : memref<!tpu.dma_semaphore, #tpu.memory_space<semaphore_mem>>) src(%arg6 : memref<128xf32, #tpu.memory_space<vmem>>) dst(%dma_wait3A_64 : memref<10240xf32, #tpu.memory_space<vmem_shared>>)
        tpu.yield
      }) : () -> ()
    }
    %scan3A_49 = arith.constant 80 : i32
    %barrier3A_50 = arith.constant 0 : index
    tpu.barrier barrier_id(%barrier3A_50)
    %mul3A_51 = arith.constant 640 : i32
    %mul3A_52 = arith.muli %arg1, %mul3A_51 : i32
    %mul3A_53 = arith.constant 10240 : i32
    %mul3A_54 = arith.muli %arg0, %mul3A_53 : i32
    %mul3A_55 = arith.constant 640 : i32
    %mul3A_56 = arith.muli %arg1, %mul3A_55 : i32
    %add3A_57 = arith.addi %mul3A_54, %mul3A_56 : i32
    "tpu.region"() ({
      %run_scoped3A = tpu.sem_alloc : memref<!tpu.dma_semaphore, #tpu.memory_space<semaphore_mem>>
      %dma_start3A = tpu.memref_slice %arg3[%add3A_57] : memref<20480xf32, #tpu.memory_space<hbm>> -> memref<640xf32, #tpu.memory_space<hbm>>
      %dma_start3A_58 = tpu.memref_slice %arg4[%mul3A_52] : memref<10240xf32, #tpu.memory_space<vmem_shared>> -> memref<640xf32, #tpu.memory_space<vmem_shared>>
      tpu.enqueue_dma source(%dma_start3A_58 : memref<640xf32, #tpu.memory_space<vmem_shared>>) target(%dma_start3A : memref<640xf32, #tpu.memory_space<hbm>>) target_semaphore(%run_scoped3A : memref<!tpu.dma_semaphore, #tpu.memory_space<semaphore_mem>>)
      %dma_wait3A = tpu.memref_slice %arg3[%add3A_57] : memref<20480xf32, #tpu.memory_space<hbm>> -> memref<640xf32, #tpu.memory_space<hbm>>
      %dma_wait3A_59 = tpu.memref_slice %arg4[%mul3A_52] : memref<10240xf32, #tpu.memory_space<vmem_shared>> -> memref<640xf32, #tpu.memory_space<vmem_shared>>
      tpu.wait_dma2 semaphore(%run_scoped3A : memref<!tpu.dma_semaphore, #tpu.memory_space<semaphore_mem>>) src(%dma_wait3A_59 : memref<640xf32, #tpu.memory_space<vmem_shared>>) dst(%dma_wait3A : memref<640xf32, #tpu.memory_space<hbm>>)
      tpu.yield
    }) : () -> ()
    return
  }
}

module attributes {stable_mosaic.version = 14 : i64} {
  func.func @_scale_body(%arg0: i32, %arg1: memref<1024x1xf32, #tpu.memory_space<vmem>>, %arg2: memref<1024x1xf32, #tpu.memory_space<vmem>>, %arg3: memref<1024x128xf32, #tpu.memory_space<vmem>>, %arg4: memref<128x128xf32, #tpu.memory_space<vmem>>, %arg5: memref<1024x128xf32, #tpu.memory_space<vmem>>, %arg6: memref<1024x1xf32, #tpu.memory_space<vmem>>) attributes {dimension_semantics = [#tpu.dimension_semantics<arbitrary>], iteration_bounds = array<i64: 10>, scalar_prefetch = 0 : i64, scratch_operands = 0 : i64, tpu.core_type = #tpu.core_type<tc>, window_params = [{transform_indices = @transform_0, window_bounds = array<i64: 1024, 1>}, {transform_indices = @transform_1, window_bounds = array<i64: 1024, 1>}, {transform_indices = @transform_2, window_bounds = array<i64: 1024, 128>}, {pipeline_mode = #tpu.pipeline_mode<synchronous>, transform_indices = @transform_3, window_bounds = array<i64: 128, 128>}, {transform_indices = @transform_4, window_bounds = array<i64: 1024, 128>}, {transform_indices = @transform_5, window_bounds = array<i64: 1024, 1>}]} {
    %get3A = arith.constant 0 : index
    %get3A_0 = arith.constant 0 : index
    %get3A_1 = vector.load %arg1[%get3A, %get3A_0] : memref<1024x1xf32, #tpu.memory_space<vmem>>, vector<1024x1xf32>
    %get3A_2 = arith.constant 0 : index
    %get3A_3 = arith.constant 0 : index
    %get3A_4 = vector.load %arg2[%get3A_2, %get3A_3] : memref<1024x1xf32, #tpu.memory_space<vmem>>, vector<1024x1xf32>
    %add3A = arith.addf %get3A_1, %get3A_4 : vector<1024x1xf32>
    %add3A_5 = arith.constant 1.000000e+00 : f32
    %add3A_6 = vector.broadcast %add3A_5 : f32 to vector<1024x1xf32>
    %add3A_7 = arith.addf %add3A, %add3A_6 : vector<1024x1xf32>
    %rsqrt3A = math.rsqrt %add3A_7 : vector<1024x1xf32>
    %swap3A = arith.constant 0 : index
    %swap3A_8 = arith.constant 0 : index
    %swap3A_9 = vector.load %arg6[%swap3A, %swap3A_8] : memref<1024x1xf32, #tpu.memory_space<vmem>>, vector<1024x1xf32>
    tpu.vector_store %arg6[%swap3A, %swap3A_8], %rsqrt3A {strides = array<i32>} : memref<1024x1xf32, #tpu.memory_space<vmem>>, vector<1024x1xf32>,
    %get3A_10 = arith.constant 0 : index
    %get3A_11 = arith.constant 0 : index
    %get3A_12 = vector.load %arg3[%get3A_10, %get3A_11] : memref<1024x128xf32, #tpu.memory_space<vmem>>, vector<1024x128xf32>
    %get3A_13 = arith.constant 0 : index
    %get3A_14 = arith.constant 0 : index
    %get3A_15 = vector.load %arg4[%get3A_13, %get3A_14] : memref<128x128xf32, #tpu.memory_space<vmem>>, vector<128x128xf32>
    %dot_general3A = arith.constant dense<0.000000e+00> : vector<1024x128xf32>
    %dot_general3A_16 = tpu.matmul %get3A_12, %get3A_15, %dot_general3A {dimension_numbers = #tpu.dot_dimension_numbers<[1], [0], [0], [1], [0, 0, 1, 1], [], []>, transpose_lhs_hint = false} : vector<1024x128xf32>, vector<128x128xf32>, vector<1024x128xf32> -> vector<1024x128xf32>
    %mul3A = vector.broadcast %rsqrt3A : vector<1024x1xf32> to vector<1024x128xf32>
    %mul3A_17 = arith.mulf %dot_general3A_16, %mul3A : vector<1024x128xf32>
    %swap3A_18 = arith.constant 0 : index
    %swap3A_19 = arith.constant 0 : index
    %swap3A_20 = vector.load %arg5[%swap3A_18, %swap3A_19] : memref<1024x128xf32, #tpu.memory_space<vmem>>, vector<1024x128xf32>
    tpu.vector_store %arg5[%swap3A_18, %swap3A_19], %mul3A_17 {strides = array<i32>} : memref<1024x128xf32, #tpu.memory_space<vmem>>, vector<1024x128xf32>,
    return
  }
  func.func @transform_0(%arg0: i32) -> (i32, i32) {
    %c0_i32 = arith.constant 0 : i32
    %c0_i32_0 = arith.constant 0 : i32
    return %arg0, %c0_i32 : i32, i32
  }
  func.func @transform_1(%arg0: i32) -> (i32, i32) {
    %c0_i32 = arith.constant 0 : i32
    %c0_i32_0 = arith.constant 0 : i32
    return %arg0, %c0_i32 : i32, i32
  }
  func.func @transform_2(%arg0: i32) -> (i32, i32) {
    %c0_i32 = arith.constant 0 : i32
    %c0_i32_0 = arith.constant 0 : i32
    return %arg0, %c0_i32 : i32, i32
  }
  func.func @transform_3(%arg0: i32) -> (i32, i32) {
    %c0_i32 = arith.constant 0 : i32
    %c0_i32_0 = arith.constant 0 : i32
    %c0_i32_1 = arith.constant 0 : i32
    return %c0_i32, %c0_i32_0 : i32, i32
  }
  func.func @transform_4(%arg0: i32) -> (i32, i32) {
    %c0_i32 = arith.constant 0 : i32
    %c0_i32_0 = arith.constant 0 : i32
    return %arg0, %c0_i32 : i32, i32
  }
  func.func @transform_5(%arg0: i32) -> (i32, i32) {
    %c0_i32 = arith.constant 0 : i32
    %c0_i32_0 = arith.constant 0 : i32
    return %arg0, %c0_i32 : i32, i32
  }
}

module attributes {stable_mosaic.version = 14 : i64} {
  func.func @_final_body(%arg0: i32, %arg1: memref<2x1024x128xf32, #tpu.memory_space<vmem>>, %arg2: memref<1024x128xf32, #tpu.memory_space<vmem>>, %arg3: memref<1024x1xf32, #tpu.memory_space<vmem>>, %arg4: memref<1024x1xf32, #tpu.memory_space<vmem>>, %arg5: memref<1024x1xf32, #tpu.memory_space<vmem>>, %arg6: memref<1x128xf32, #tpu.memory_space<vmem>>, %arg7: memref<128x128xf32, #tpu.memory_space<vmem>>, %arg8: memref<1x128xf32, #tpu.memory_space<vmem>>, %arg9: memref<128x64xf32, #tpu.memory_space<vmem>>, %arg10: memref<1x64xf32, #tpu.memory_space<vmem>>, %arg11: memref<64x1xf32, #tpu.memory_space<vmem>>, %arg12: memref<1x1xf32, #tpu.memory_space<vmem>>, %arg13: memref<128x1xf32, #tpu.memory_space<vmem>>, %arg14: memref<1x1xf32, #tpu.memory_space<vmem>>, %arg15: memref<1x1xf32, #tpu.memory_space<vmem>>, %arg16: memref<1x1xf32, #tpu.memory_space<vmem>>, %arg17: memref<1x128xf32, #tpu.memory_space<vmem>>) attributes {dimension_semantics = [#tpu.dimension_semantics<arbitrary>], iteration_bounds = array<i64: 10>, scalar_prefetch = 0 : i64, scratch_operands = 1 : i64, tpu.core_type = #tpu.core_type<tc>, window_params = [{transform_indices = @transform_0, window_bounds = array<i64: 2, 1024, 128>}, {transform_indices = @transform_1, window_bounds = array<i64: 1024, 128>}, {transform_indices = @transform_2, window_bounds = array<i64: 1024, 1>}, {transform_indices = @transform_3, window_bounds = array<i64: 1024, 1>}, {transform_indices = @transform_4, window_bounds = array<i64: 1024, 1>}, {pipeline_mode = #tpu.pipeline_mode<synchronous>, transform_indices = @transform_5, window_bounds = array<i64: 1, 128>}, {pipeline_mode = #tpu.pipeline_mode<synchronous>, transform_indices = @transform_6, window_bounds = array<i64: 128, 128>}, {pipeline_mode = #tpu.pipeline_mode<synchronous>, transform_indices = @transform_7, window_bounds = array<i64: 1, 128>}, {pipeline_mode = #tpu.pipeline_mode<synchronous>, transform_indices = @transform_8, window_bounds = array<i64: 128, 64>}, {pipeline_mode = #tpu.pipeline_mode<synchronous>, transform_indices = @transform_9, window_bounds = array<i64: 1, 64>}, {pipeline_mode = #tpu.pipeline_mode<synchronous>, transform_indices = @transform_10, window_bounds = array<i64: 64, 1>}, {pipeline_mode = #tpu.pipeline_mode<synchronous>, transform_indices = @transform_11, window_bounds = array<i64: 1, 1>}, {pipeline_mode = #tpu.pipeline_mode<synchronous>, transform_indices = @transform_12, window_bounds = array<i64: 128, 1>}, {pipeline_mode = #tpu.pipeline_mode<synchronous>, transform_indices = @transform_13, window_bounds = array<i64: 1, 1>}, {pipeline_mode = #tpu.pipeline_mode<synchronous>, transform_indices = @transform_14, window_bounds = array<i64: 1, 1>}, {pipeline_mode = #tpu.pipeline_mode<synchronous>, transform_indices = @transform_15, window_bounds = array<i64: 1, 1>}]} {
    %get3A = arith.constant 0 : index
    %get3A_0 = arith.constant 0 : index
    %get3A_1 = arith.constant 0 : index
    %get3A_2 = vector.load %arg1[%get3A, %get3A_0, %get3A_1] : memref<2x1024x128xf32, #tpu.memory_space<vmem>>, vector<1x1024x128xf32>
    %get3A_3 = vector.shape_cast %get3A_2 : vector<1x1024x128xf32> to vector<1024x128xf32>
    %get3A_4 = arith.constant 1 : index
    %get3A_5 = arith.constant 0 : index
    %get3A_6 = arith.constant 0 : index
    %get3A_7 = vector.load %arg1[%get3A_4, %get3A_5, %get3A_6] : memref<2x1024x128xf32, #tpu.memory_space<vmem>>, vector<1x1024x128xf32>
    %get3A_8 = vector.shape_cast %get3A_7 : vector<1x1024x128xf32> to vector<1024x128xf32>
    %add3A = arith.addf %get3A_3, %get3A_8 : vector<1024x128xf32>
    %get3A_9 = arith.constant 0 : index
    %get3A_10 = arith.constant 0 : index
    %get3A_11 = vector.load %arg2[%get3A_9, %get3A_10] : memref<1024x128xf32, #tpu.memory_space<vmem>>, vector<1024x128xf32>
    %add3A_12 = arith.addf %add3A, %get3A_11 : vector<1024x128xf32>
    %get3A_13 = arith.constant 0 : index
    %get3A_14 = arith.constant 0 : index
    %get3A_15 = vector.load %arg3[%get3A_13, %get3A_14] : memref<1024x1xf32, #tpu.memory_space<vmem>>, vector<1024x1xf32>
    %mul3A = vector.broadcast %get3A_15 : vector<1024x1xf32> to vector<1024x128xf32>
    %mul3A_16 = arith.mulf %add3A_12, %mul3A : vector<1024x128xf32>
    %get3A_17 = arith.constant 0 : index
    %get3A_18 = arith.constant 0 : index
    %get3A_19 = vector.load %arg6[%get3A_17, %get3A_18] : memref<1x128xf32, #tpu.memory_space<vmem>>, vector<1x128xf32>
    %add3A_20 = vector.broadcast %get3A_19 : vector<1x128xf32> to vector<1024x128xf32>
    %add3A_21 = arith.addf %mul3A_16, %add3A_20 : vector<1024x128xf32>
    %max3A = arith.constant 0.000000e+00 : f32
    %max3A_22 = vector.broadcast %max3A : f32 to vector<1024x128xf32>
    %max3A_23 = arith.maximumf %add3A_21, %max3A_22 : vector<1024x128xf32>
    %get3A_24 = arith.constant 0 : index
    %get3A_25 = arith.constant 0 : index
    %get3A_26 = vector.load %arg4[%get3A_24, %get3A_25] : memref<1024x1xf32, #tpu.memory_space<vmem>>, vector<1024x1xf32>
    %get3A_27 = arith.constant 0 : index
    %get3A_28 = arith.constant 0 : index
    %get3A_29 = vector.load %arg5[%get3A_27, %get3A_28] : memref<1024x1xf32, #tpu.memory_space<vmem>>, vector<1024x1xf32>
    %add3A_30 = arith.addf %get3A_26, %get3A_29 : vector<1024x1xf32>
    %add3A_31 = arith.addf %add3A_30, %get3A_15 : vector<1024x1xf32>
    %mul3A_32 = arith.mulf %get3A_15, %add3A_31 : vector<1024x1xf32>
    %iota3A = tpu.iota {dimensions = array<i32: 0>} : vector<1024x1xi32>
    %mul3A_33 = arith.constant 1024 : i32
    %mul3A_34 = arith.muli %arg0, %mul3A_33 : i32
    %add3A_35 = vector.broadcast %mul3A_34 : i32 to vector<1024x1xi32>
    %add3A_36 = arith.addi %iota3A, %add3A_35 : vector<1024x1xi32>
    %lt3A = arith.constant 10000 : i32
    %lt3A_37 = vector.broadcast %lt3A : i32 to vector<1024x1xi32>
    %lt3A_38 = arith.cmpi slt, %add3A_36, %lt3A_37 : vector<1024x1xi32>
    %jit3A = arith.constant 0.000000e+00 : f32
    %broadcast_in_dim3A = vector.broadcast %jit3A : f32 to vector<1024x1xf32>
    %select_n3A = arith.select %lt3A_38, %mul3A_32, %broadcast_in_dim3A : vector<1024x1xi1>, vector<1024x1xf32>
    %mul3A_39 = vector.broadcast %select_n3A : vector<1024x1xf32> to vector<1024x128xf32>
    %mul3A_40 = arith.mulf %mul3A_39, %max3A_23 : vector<1024x128xf32>
    %reduce_sum3A = arith.constant dense<0.000000e+00> : vector<128xf32>
    %reduce_sum3A_41 = vector.multi_reduction <add>, %mul3A_40, %reduce_sum3A [0] : vector<1024x128xf32> to vector<128xf32>
    %broadcast_in_dim3A_42 = vector.shape_cast %reduce_sum3A_41 : vector<128xf32> to vector<1x128xf32>
    %eq3A = arith.constant 0 : i32
    %eq3A_43 = arith.cmpi eq, %arg0, %eq3A : i32
    %convert_element_type3A = arith.extui %eq3A_43 : i1 to i32
    %cond3A = arith.constant 0 : i32
    %cond3A_44 = arith.cmpi ne, %convert_element_type3A, %cond3A : i32
    scf.if %cond3A_44 {
      %broadcast_in_dim3A_56 = arith.constant 0.000000e+00 : f32
      %broadcast_in_dim3A_57 = vector.broadcast %broadcast_in_dim3A_56 : f32 to vector<1x128xf32>
      %swap3A_58 = arith.constant 0 : index
      %swap3A_59 = arith.constant 0 : index
      %swap3A_60 = vector.load %arg17[%swap3A_58, %swap3A_59] : memref<1x128xf32, #tpu.memory_space<vmem>>, vector<1x128xf32>
      tpu.vector_store %arg17[%swap3A_58, %swap3A_59], %broadcast_in_dim3A_57 {strides = array<i32>} : memref<1x128xf32, #tpu.memory_space<vmem>>, vector<1x128xf32>,
    } else {
    }
    %get3A_45 = arith.constant 0 : index
    %get3A_46 = arith.constant 0 : index
    %get3A_47 = vector.load %arg17[%get3A_45, %get3A_46] : memref<1x128xf32, #tpu.memory_space<vmem>>, vector<1x128xf32>
    %add3A_48 = arith.addf %get3A_47, %broadcast_in_dim3A_42 : vector<1x128xf32>
    %swap3A = arith.constant 0 : index
    %swap3A_49 = arith.constant 0 : index
    %swap3A_50 = vector.load %arg17[%swap3A, %swap3A_49] : memref<1x128xf32, #tpu.memory_space<vmem>>, vector<1x128xf32>
    tpu.vector_store %arg17[%swap3A, %swap3A_49], %add3A_48 {strides = array<i32>} : memref<1x128xf32, #tpu.memory_space<vmem>>, vector<1x128xf32>,
    %eq3A_51 = arith.constant 9 : i32
    %eq3A_52 = arith.cmpi eq, %arg0, %eq3A_51 : i32
    %convert_element_type3A_53 = arith.extui %eq3A_52 : i1 to i32
    %cond3A_54 = arith.constant 0 : i32
    %cond3A_55 = arith.cmpi ne, %convert_element_type3A_53, %cond3A_54 : i32
    scf.if %cond3A_55 {
      %get3A_56 = arith.constant 0 : index
      %get3A_57 = arith.constant 0 : index
      %get3A_58 = vector.load %arg17[%get3A_56, %get3A_57] : memref<1x128xf32, #tpu.memory_space<vmem>>, vector<1x128xf32>
      %mul3A_59 = arith.constant 9.99999974E-5 : f32
      %mul3A_60 = vector.broadcast %mul3A_59 : f32 to vector<1x128xf32>
      %mul3A_61 = arith.mulf %get3A_58, %mul3A_60 : vector<1x128xf32>
      %get3A_62 = arith.constant 0 : index
      %get3A_63 = arith.constant 0 : index
      %get3A_64 = vector.load %arg7[%get3A_62, %get3A_63] : memref<128x128xf32, #tpu.memory_space<vmem>>, vector<128x128xf32>
      %dot_general3A = arith.constant dense<0.000000e+00> : vector<1x128xf32>
      %dot_general3A_65 = tpu.matmul %mul3A_61, %get3A_64, %dot_general3A {dimension_numbers = #tpu.dot_dimension_numbers<[1], [0], [0], [1], [0, 0, 1, 1], [], []>, transpose_lhs_hint = false} : vector<1x128xf32>, vector<128x128xf32>, vector<1x128xf32> -> vector<1x128xf32>
      %get3A_66 = arith.constant 0 : index
      %get3A_67 = arith.constant 0 : index
      %get3A_68 = vector.load %arg8[%get3A_66, %get3A_67] : memref<1x128xf32, #tpu.memory_space<vmem>>, vector<1x128xf32>
      %add3A_69 = arith.addf %dot_general3A_65, %get3A_68 : vector<1x128xf32>
      %get3A_70 = arith.constant 0 : index
      %get3A_71 = arith.constant 0 : index
      %get3A_72 = vector.load %arg9[%get3A_70, %get3A_71] : memref<128x64xf32, #tpu.memory_space<vmem>>, vector<128x64xf32>
      %dot_general3A_73 = arith.constant dense<0.000000e+00> : vector<1x64xf32>
      %dot_general3A_74 = tpu.matmul %add3A_69, %get3A_72, %dot_general3A_73 {dimension_numbers = #tpu.dot_dimension_numbers<[1], [0], [0], [1], [0, 0, 1, 1], [], []>, transpose_lhs_hint = false} : vector<1x128xf32>, vector<128x64xf32>, vector<1x64xf32> -> vector<1x64xf32>
      %get3A_75 = arith.constant 0 : index
      %get3A_76 = arith.constant 0 : index
      %get3A_77 = vector.load %arg10[%get3A_75, %get3A_76] : memref<1x64xf32, #tpu.memory_space<vmem>>, vector<1x64xf32>
      %add3A_78 = arith.addf %dot_general3A_74, %get3A_77 : vector<1x64xf32>
      %max3A_79 = arith.constant 0.000000e+00 : f32
      %max3A_80 = vector.broadcast %max3A_79 : f32 to vector<1x64xf32>
      %max3A_81 = arith.maximumf %add3A_78, %max3A_80 : vector<1x64xf32>
      %get3A_82 = arith.constant 0 : index
      %get3A_83 = arith.constant 0 : index
      %get3A_84 = vector.load %arg11[%get3A_82, %get3A_83] : memref<64x1xf32, #tpu.memory_space<vmem>>, vector<64x1xf32>
      %dot_general3A_85 = arith.constant dense<0.000000e+00> : vector<1x1xf32>
      %dot_general3A_86 = tpu.matmul %max3A_81, %get3A_84, %dot_general3A_85 {dimension_numbers = #tpu.dot_dimension_numbers<[1], [0], [0], [1], [0, 0, 1, 1], [], []>, transpose_lhs_hint = false} : vector<1x64xf32>, vector<64x1xf32>, vector<1x1xf32> -> vector<1x1xf32>
      %get3A_87 = arith.constant 0 : index
      %get3A_88 = arith.constant 0 : index
      %get3A_89 = vector.load %arg12[%get3A_87, %get3A_88] : memref<1x1xf32, #tpu.memory_space<vmem>>, vector<1x1xf32>
      %add3A_90 = arith.addf %dot_general3A_86, %get3A_89 : vector<1x1xf32>
      %swap3A_91 = arith.constant 0 : index
      %swap3A_92 = arith.constant 0 : index
      %swap3A_93 = vector.load %arg15[%swap3A_91, %swap3A_92] : memref<1x1xf32, #tpu.memory_space<vmem>>, vector<1x1xf32>
      tpu.vector_store %arg15[%swap3A_91, %swap3A_92], %add3A_90 {strides = array<i32>} : memref<1x1xf32, #tpu.memory_space<vmem>>, vector<1x1xf32>,
      %get3A_94 = arith.constant 0 : index
      %get3A_95 = arith.constant 0 : index
      %get3A_96 = vector.load %arg13[%get3A_94, %get3A_95] : memref<128x1xf32, #tpu.memory_space<vmem>>, vector<128x1xf32>
      %dot_general3A_97 = arith.constant dense<0.000000e+00> : vector<1x1xf32>
      %dot_general3A_98 = tpu.matmul %add3A_69, %get3A_96, %dot_general3A_97 {dimension_numbers = #tpu.dot_dimension_numbers<[1], [0], [0], [1], [0, 0, 1, 1], [], []>, transpose_lhs_hint = false} : vector<1x128xf32>, vector<128x1xf32>, vector<1x1xf32> -> vector<1x1xf32>
      %get3A_99 = arith.constant 0 : index
      %get3A_100 = arith.constant 0 : index
      %get3A_101 = vector.load %arg14[%get3A_99, %get3A_100] : memref<1x1xf32, #tpu.memory_space<vmem>>, vector<1x1xf32>
      %add3A_102 = arith.addf %dot_general3A_98, %get3A_101 : vector<1x1xf32>
      %neg3A = arith.constant 0.000000e+00 : f32
      %neg3A_103 = vector.broadcast %neg3A : f32 to vector<1x1xf32>
      %neg3A_104 = arith.subf %neg3A_103, %add3A_102 : vector<1x1xf32>
      %exp3A = math.exp %neg3A_104 : vector<1x1xf32>
      %add3A_105 = arith.constant 1.000000e+00 : f32
      %add3A_106 = vector.broadcast %add3A_105 : f32 to vector<1x1xf32>
      %add3A_107 = arith.addf %add3A_106, %exp3A : vector<1x1xf32>
      %div3A = arith.constant 1.000000e+00 : f32
      %div3A_108 = vector.broadcast %div3A : f32 to vector<1x1xf32>
      %div3A_109 = arith.divf %div3A_108, %add3A_107 : vector<1x1xf32>
      %swap3A_110 = arith.constant 0 : index
      %swap3A_111 = arith.constant 0 : index
      %swap3A_112 = vector.load %arg16[%swap3A_110, %swap3A_111] : memref<1x1xf32, #tpu.memory_space<vmem>>, vector<1x1xf32>
      tpu.vector_store %arg16[%swap3A_110, %swap3A_111], %div3A_109 {strides = array<i32>} : memref<1x1xf32, #tpu.memory_space<vmem>>, vector<1x1xf32>,
    } else {
    }
    return
  }
  func.func @transform_0(%arg0: i32) -> (i32, i32, i32) {
    %c0_i32 = arith.constant 0 : i32
    %c0_i32_0 = arith.constant 0 : i32
    %c0_i32_1 = arith.constant 0 : i32
    return %c0_i32, %arg0, %c0_i32_0 : i32, i32, i32
  }
  func.func @transform_1(%arg0: i32) -> (i32, i32) {
    %c0_i32 = arith.constant 0 : i32
    %c0_i32_0 = arith.constant 0 : i32
    return %arg0, %c0_i32 : i32, i32
  }
  func.func @transform_2(%arg0: i32) -> (i32, i32) {
    %c0_i32 = arith.constant 0 : i32
    %c0_i32_0 = arith.constant 0 : i32
    return %arg0, %c0_i32 : i32, i32
  }
  func.func @transform_3(%arg0: i32) -> (i32, i32) {
    %c0_i32 = arith.constant 0 : i32
    %c0_i32_0 = arith.constant 0 : i32
    return %arg0, %c0_i32 : i32, i32
  }
  func.func @transform_4(%arg0: i32) -> (i32, i32) {
    %c0_i32 = arith.constant 0 : i32
    %c0_i32_0 = arith.constant 0 : i32
    return %arg0, %c0_i32 : i32, i32
  }
  func.func @transform_5(%arg0: i32) -> (i32, i32) {
    %c0_i32 = arith.constant 0 : i32
    %c0_i32_0 = arith.constant 0 : i32
    %c0_i32_1 = arith.constant 0 : i32
    return %c0_i32, %c0_i32_0 : i32, i32
  }
  func.func @transform_6(%arg0: i32) -> (i32, i32) {
    %c0_i32 = arith.constant 0 : i32
    %c0_i32_0 = arith.constant 0 : i32
    %c0_i32_1 = arith.constant 0 : i32
    return %c0_i32, %c0_i32_0 : i32, i32
  }
  func.func @transform_7(%arg0: i32) -> (i32, i32) {
    %c0_i32 = arith.constant 0 : i32
    %c0_i32_0 = arith.constant 0 : i32
    %c0_i32_1 = arith.constant 0 : i32
    return %c0_i32, %c0_i32_0 : i32, i32
  }
  func.func @transform_8(%arg0: i32) -> (i32, i32) {
    %c0_i32 = arith.constant 0 : i32
    %c0_i32_0 = arith.constant 0 : i32
    %c0_i32_1 = arith.constant 0 : i32
    return %c0_i32, %c0_i32_0 : i32, i32
  }
  func.func @transform_9(%arg0: i32) -> (i32, i32) {
    %c0_i32 = arith.constant 0 : i32
    %c0_i32_0 = arith.constant 0 : i32
    %c0_i32_1 = arith.constant 0 : i32
    return %c0_i32, %c0_i32_0 : i32, i32
  }
  func.func @transform_10(%arg0: i32) -> (i32, i32) {
    %c0_i32 = arith.constant 0 : i32
    %c0_i32_0 = arith.constant 0 : i32
    %c0_i32_1 = arith.constant 0 : i32
    return %c0_i32, %c0_i32_0 : i32, i32
  }
  func.func @transform_11(%arg0: i32) -> (i32, i32) {
    %c0_i32 = arith.constant 0 : i32
    %c0_i32_0 = arith.constant 0 : i32
    %c0_i32_1 = arith.constant 0 : i32
    return %c0_i32, %c0_i32_0 : i32, i32
  }
  func.func @transform_12(%arg0: i32) -> (i32, i32) {
    %c0_i32 = arith.constant 0 : i32
    %c0_i32_0 = arith.constant 0 : i32
    %c0_i32_1 = arith.constant 0 : i32
    return %c0_i32, %c0_i32_0 : i32, i32
  }
  func.func @transform_13(%arg0: i32) -> (i32, i32) {
    %c0_i32 = arith.constant 0 : i32
    %c0_i32_0 = arith.constant 0 : i32
    %c0_i32_1 = arith.constant 0 : i32
    return %c0_i32, %c0_i32_0 : i32, i32
  }
  func.func @transform_14(%arg0: i32) -> (i32, i32) {
    %c0_i32 = arith.constant 0 : i32
    %c0_i32_0 = arith.constant 0 : i32
    %c0_i32_1 = arith.constant 0 : i32
    return %c0_i32, %c0_i32_0 : i32, i32
  }
  func.func @transform_15(%arg0: i32) -> (i32, i32) {
    %c0_i32 = arith.constant 0 : i32
    %c0_i32_0 = arith.constant 0 : i32
    %c0_i32_1 = arith.constant 0 : i32
    return %c0_i32, %c0_i32_0 : i32, i32
  }
}

</mosaic_0001>

<sc_bundles>
// kernel: kernel.6.cloned.1.call-start
scs
__scs_entry_jumppad:
0x0: {  	(pc) =	sbr.rel $0x88, $3  }
0x1: {  	(tag) =	ssettag $0x0;
	lr =	simm.s32 $0x1  }
0x2: {  	[smem:$0x3F95] =	sst lr;
	_ =	strace $0xD0000000  }
0x3: {  	_ = 	snop  }
0x4: {  	_ = 	snop  }
0x5: {  	_ = 	snop  }
0x6: {  	_ = 	snop  }
0x7: {  	_ = 	snop  }
__scs_overlays_trampoline_lowered:
0x8: {  	[smem:$0x3FA4] =	sst s0  }
0x9: {  	[smem:$0x3FA5] =	sst s1  }
0xa: {  	[smem:$0x3FA6] =	sst s2  }
0xb: {  	[smem:$0x3FA7] =	sst s3  }
0xc: {  	[smem:$0x3FA8] =	sst s4  }
0xd: {  	[smem:$0x3FA9] =	sst s5  }
0xe: {  	[smem:$0x3FAA] =	sst s6  }
0xf: {  	[smem:$0x3FAB] =	sst s7  }
0x10: {  	[smem:$0x3FAC] =	sst s8  }
0x11: {  	[smem:$0x3FAD] =	sst s9;
	s0 =	simm.s32 @!p0 $0x0  }
0x12: {  	s1 =	sld [smem:$0x3F93];
	s0 =	simm.s32 @p0 $0x1  }
0x13: {  	[smem:$0x3FAE] =	sst s0;
	s0 =	simm.s32 @!p1 $0x0  }
0x14: {  	s2 =	sld [smem:$0x3F92];
	s0 =	simm.s32 @p1 $0x1  }
0x15: {  	[smem:$0x3FAF] =	sst s0;
	s0 =	simm.s32 @!p2 $0x0  }
0x16: {  	s3 =	sld [smem:$0x3FDB];
	s0 =	simm.s32 @p2 $0x1  }
0x17: {  	s4 =	simm.s32 $0x1BF5;
	[smem:$0x3FB1] =	sst s0  }
0x18: {  	s0 =	sld [smem:$0x3F94];
	_ =	swait.ge [sflag:s4], $0x0  }
0x19: {  	s7 =	sld [smem:$0x3F95]  }
0x1a: {  	s8 =	sadd.s32 $0xFFFFE003, lr  }
0x1b: {  	s9 =	sadd.s32 $0xFFFFFEF7, lr;
	s5 =	simm.s32 $0xFFFFFFFF;
	p2 =	slt.u32 s8, $0xFFFFF086  }
0x1c: {  	p1 =	slt.u32 s9, $0xF7A;
	s5 =	simm.s32 @!p2 $0x0  }
0x1d: {  	s5 =	simm.s32 @p1 $0x1;
	p0 =	seq.s32 s7, s2  }
0x1e: {  	s7 =	smul.u32 @!p0 $0xF7A, s2;
	p2 =	seq.s32 @!p0 s5, $0x0  }
0x1f: {  	s9 =	smul.u32 $0xF7A, s1;
	s8 =	simm.s32 @!p0 $0x1BF5;
	p2 =	por !p2, p0  }
0x20: {  	[sflag:s8] =	ssyncset.s32 @!p0 $0xFFFFF086;
	s6 =	sadd.s32 @!p0 s3, s7;
	s7 =	simm.s32 @!p0 $0x108  }
0x21: {  	s3 =	sadd.s32 s3, s9;
	s6 =	sadd.s32 @!p0 $0x88, s6;
	s7 =	simm.s32 @p2 $0x1082  }
0x22: {  	[simem:s7], [sflag:s8] =	dma.local @!p0 [hbm:s6], $0xF7A  }
0x23: {  	s9 =	sor.u32 $0xD0000000, s2;
	s6 =	simm.s32 $0x108;
	_ =	swait.ge @!p0 [sflag:s8], $0x0  }
0x24: {  	s3 =	sadd.s32 $0x88, s3;
	s6 =	simm.s32 @!p1 $0x1082;
	[sflag:s4] =	ssyncset.s32 $0xFFFFF086  }
0x25: {  	[simem:s6], [sflag:s4] =	dma.local [hbm:s3], $0xF7A  }
0x26: {  	[smem:$0x3F95] =	sst s1;
	(tag) =	ssettag s2;
	_ =	strace s9  }
0x27: {  	s1 =	sld [smem:$0x3FA5]  }
0x28: {  	s2 =	sld [smem:$0x3FA6]  }
0x29: {  	s4 =	sld [smem:$0x3FA8]  }
0x2a: {  	p0 =	seq.s32 s5, $0x0;
	s5 =	sld [smem:$0x3FA9]  }
0x2b: {  	s6 =	sld [smem:$0x3FAA]  }
0x2c: {  	s7 =	sld [smem:$0x3FAB]  }
0x2d: {  	s3 =	simm.s32 $0x108;
	s8 =	sld [smem:$0x3FAC]  }
0x2e: {  	s3 =	simm.s32 @!p0 $0x1082;
	s9 =	sld [smem:$0x3FAD]  }
0x2f: {  	lr =	sadd.s32 s0, s3;
	s0 =	sld [smem:$0x3FA4]  }
0x30: {  	s3 =	sld [smem:$0x3FA7]  }
0x31: {  	[smem:$0x3FB0] =	sst s10  }
0x32: {  	s10 =	sld [smem:$0x3FAE];
	_ =	sdelay $0x3  }
0x33: {  	p0 =	seq.s32 s10, $0x1;
	s10 =	sld [smem:$0x3FB0];
	_ =	sdelay $0x3  }
0x34: {  	[smem:$0x3FB0] =	sst s10  }
0x35: {  	s10 =	sld [smem:$0x3FAF];
	_ =	sdelay $0x3  }
0x36: {  	p1 =	seq.s32 s10, $0x1;
	s10 =	sld [smem:$0x3FB0];
	_ =	sdelay $0x3  }
0x37: {  	[smem:$0x3FB0] =	sst s10  }
0x38: {  	s10 =	sld [smem:$0x3FB1]  }
0x39: {  	_ = 	snop;
	(pc) =	sbr.ind lr, $3  }
0x3a: {  	_ = 	snop  }
0x3b: {  	_ = 	snop  }
0x3c: {  	p2 =	seq.s32 s10, $0x1;
	s10 =	sld [smem:$0x3FB0]  }
0x3d: {  	_ =	shalt  }
0x3e: {  	_ =	shalt  }
0x3f: {  	_ =	shalt  }
0x40: {  	_ =	shalt  }
0x41: {  	_ =	shalt  }
0x42: {  	_ =	shalt  }
0x43: {  	_ =	shalt  }
0x44: {  	_ =	shalt  }
0x45: {  	_ =	shalt  }
0x46: {  	_ =	shalt  }
0x47: {  	_ =	shalt  }
0x48: {  	_ =	shalt  }
0x49: {  	_ =	shalt  }
0x4a: {  	_ =	shalt  }
0x4b: {  	_ =	shalt  }
0x4c: {  	_ =	shalt  }
0x4d: {  	_ =	shalt  }
0x4e: {  	_ =	shalt  }
0x4f: {  	_ =	shalt  }
0x50: {  	_ =	shalt  }
0x51: {  	_ =	shalt  }
0x52: {  	_ =	shalt  }
0x53: {  	_ =	shalt  }
0x54: {  	_ =	shalt  }
0x55: {  	_ =	shalt  }
0x56: {  	_ =	shalt  }
0x57: {  	_ =	shalt  }
0x58: {  	_ =	shalt  }
0x59: {  	_ =	shalt  }
0x5a: {  	_ =	shalt  }
0x5b: {  	_ =	shalt  }
0x5c: {  	_ =	shalt  }
0x5d: {  	_ =	shalt  }
0x5e: {  	_ =	shalt  }
0x5f: {  	_ =	shalt  }
0x60: {  	_ =	shalt  }
0x61: {  	_ =	shalt  }
0x62: {  	_ =	shalt  }
0x63: {  	_ =	shalt  }
0x64: {  	_ =	shalt  }
0x65: {  	_ =	shalt  }
0x66: {  	_ =	shalt  }
0x67: {  	_ =	shalt  }
0x68: {  	_ =	shalt  }
0x69: {  	_ =	shalt  }
0x6a: {  	_ =	shalt  }
0x6b: {  	_ =	shalt  }
0x6c: {  	_ =	shalt  }
0x6d: {  	_ =	shalt  }
0x6e: {  	_ =	shalt  }
0x6f: {  	_ =	shalt  }
0x70: {  	_ =	shalt  }
0x71: {  	_ =	shalt  }
0x72: {  	_ =	shalt  }
0x73: {  	_ =	shalt  }
0x74: {  	_ =	shalt  }
0x75: {  	_ =	shalt  }
0x76: {  	_ =	shalt  }
0x77: {  	_ =	shalt  }
0x78: {  	_ =	shalt  }
0x79: {  	_ =	shalt  }
0x7a: {  	_ =	shalt  }
0x7b: {  	_ =	shalt  }
0x7c: {  	_ =	shalt  }
0x7d: {  	_ =	shalt  }
0x7e: {  	_ =	shalt  }
0x7f: {  	_ =	shalt  }
0x80: {  	_ =	shalt  }
0x81: {  	_ =	shalt  }
0x82: {  	_ =	shalt  }
0x83: {  	_ =	shalt  }
0x84: {  	_ =	shalt  }
0x85: {  	_ =	shalt  }
0x86: {  	_ =	shalt  }
0x87: {  	_ =	shalt  }
.Lfunc_end0:
.L_simem_size_0:
called_computation_lowered:
.L_overlay_start_0:
0x88: {  	s2 =	sld [smem:$0x3FD9]  }
0x89: {  	s3 =	sld [smem:$0x3FFE];
	_ =	sdelay $0x1  }
0x8a: {  	s1 =	srdreg.scid  }
0x8b: {  	s0 =	sand.u32 $0x1, s1  }
0x8c: {  	s16 =	sshll.u32 s0, $0xA;
	s2 =	sadd.s32 s3, s2  }
0x8d: {  	s2 =	sadd.s32 s2, s16  }
0x8e: {  	[smem:$0x3FBC] =	sst s2  }
0x8f: {  	_ = 	snop  }
0x90: {  	(tm) =	ssettm $0x1  }
0x91: {  	s17 =	sld [smem:$0x3FFB];
	_ =	sdelay $0x3  }
0x92: {  	_ =	strace s17  }
0x93: {  	s2 =	sld [smem:$0x3FFC];
	_ =	sdelay $0x3  }
0x94: {  	_ =	strace s2  }
0x95: {  	s2 =	sld [smem:$0x3FFD];
	_ =	sdelay $0x3  }
0x96: {  	_ =	strace s2  }
0x97: {  	_ =	strace $0x8FFFFFFF  }
0x98: {  	s18 =	sld [smem:$0x3FDB];
	_ =	sdelay $0x1  }
0x99: {  	s19 =	simm.s32 $_scs_section_size  }
0x9a: {  	s4 =	simm.s32 $_size__tile_overlayer_lowered;
	s5 =	simm.s32 $_tile_overlayer_lowered  }
0x9b: {  	s22 =	simm.s32 $0x1BFF;
	s21 =	sshll.u32 s5, $0x1;
	s2 =	sadd.s32 s19, s18  }
0x9c: {  	s6 =	simm.s32 $0x0;
	s20 =	sshll.u32 s4, $0x1;
	s4 =	sadd.s32 s21, s2  }
0x9d: {  	[timem:s6], [sflag:s22] =	dma.local [hbm:s4], s20  }
0x9e: {  	_ =	swait.ge [sflag:s22], s20  }
0x9f: {  	s3 =	ssub.s32 $0x0, s20;
	[sflag:s22] =	ssyncset.done $0x0  }
0xa0: {  	[sflag:s22] =	ssyncadd.s32 s3;
	_ =	sdelay $0x1  }
0xa1: {  	s23 =	simm.s32 $0x1B8B  }
0xa2: {  	_ =	swait.ge [sflag:s23], $0x1  }
0xa3: {  	[sflag:s23] =	ssyncset.done $0x0  }
0xa4: {  	s25 =	simm.s32 $0x1B8E;
	s24 =	sld [smem:$0x3FFE];
	[sflag:s23] =	ssyncadd.s32 $0xFFFFFFFF  }
0xa5: {  	s26 =	simm.s32 $execute0_lowered;
	[smem:$0x3FD2] =	sst s25  }
0xa6: {  	s4 =	sshll.u32 s26, $0x1;
	_ =	strace $0x80000046;
	[dreg:$0x1] =	wrdreg $0xFFFFFFFF  }
0xa7: {  	s28 =	simm.s32 $_size_execute0_lowered;
	s2 =	sadd.s32 s2, s4;
	[dreg:$0x0] =	wrdreg $0x0  }
0xa8: {  	s4 =	sshll.u32 s28, $0x1;
	[dreg:$0x2] =	wrdreg s2  }
0xa9: {  	[dreg:$0x3] =	wrdreg s4  }
0xaa: {  	[dreg:$0x4] =	wrdreg $0xC0  }
0xab: {  	_ =	task [dreg:s6], $0x5FFFF  }
0xac: {  	[dreg:$0x1] =	wrdreg $0xFFFFFFFF  }
0xad: {  	[dreg:$0x0] =	wrdreg $0x60  }
0xae: {  	[dreg:$0x2] =	wrdreg s24  }
0xaf: {  	[dreg:$0x3] =	wrdreg $0x0  }
0xb0: {  	[dreg:$0x4] =	wrdreg $0x9  }
0xb1: {  	_ =	task.clear_ibuf [dreg:s6], $0x5FFFF;
	_ =	strace $0x90000046  }
0xb2: {  	s29 =	simm.s32 $0x9;
	_ =	strace $0x80000048  }
0xb3: {  	_ =	swait.ge [sflag:s29], $0x1  }
0xb4: {  	[sflag:s29] =	ssyncadd.s32 $0xFFFFFFFF  }
0xb5: {  	_ =	strace $0x90000048  }
0xb6: {  	_ =	sfence  }
0xb7: {  	s30 =	sld [smem:$0x0];
	_ =	sdelay $0x2  }
0xb8: {  	s31 =	sshll.u32 s1, $0xD;
	s1 =	sshrl.u32 s1, $0x2  }
0xb9: {  	s3 =	sand.u32 $0x4000, s31;
	s1 =	sadd.s32 s1, s30  }
0xba: {  	s0 =	sor.u32 s3, s0;
	s1 =	sshll.u32 s1, $0x11  }
0xbb: {  	s0 =	sor.u32 s1, s0  }
0xbc: {  	s0 =	sadd.s32 $0x8F2B, s0  }
0xbd: {  	[sflag:s0] =	ssyncadd.remote.s32 $0x1  }
0xbe: {  	_ =	sfence.sel $0xFFFF  }
0xbf: {  	[dreg:$0x0] =	wrdreg $0xFFFFFFFF;
	(pc) =	sbr.abs _section_cstart, $3  }
0xc0: {  	[dreg:$0x1] =	wrdreg $0xFFFFFFFF  }
0xc1: {  	_ =	task.clear_ibuf [dreg:s6], $0x2FFFF;
	_ =	strace $0x9FFFFFFF  }
0xc2: {  	(tm) =	ssettm $0x7FFFFFFF  }
0xc3: {  	_ =	shalt  }
tec
execute0_lowered:
.L_overlay_start_1:
0x0: {  	(tag) =	ssettag $0x1  }
0x1: {  	s4 =	rddreg [dreg:$0x0]  }
0x2: {  	s2 =	rddreg [dreg:$0x1]  }
0x3: {  	s0 =	rddreg [dreg:$0x2];
	s3 =	srdreg.scid  }
0x4: {  	s1 =	stileid.u32;
	s10 =	simm.s32 $0x2B00;
	s11 =	simm.s32 $0x80  }
0x5: {  	s12 =	simm.s32 $0x2A80;
	s15 =	simm.s32 $0x0;
	s5 =	sand.u32 $0x1, s3  }
0x6: {  	s6 =	sshll.u32 s1, $0x1;
	s7 =	smul.u32 $0x280, s1;
	s3 =	simm.s32 $0x0  }
0x7: {  	s13 =	sshll.u32 s1, $0x6;
	s6 =	sor.u32 s5, s6;
	s8 =	smul.u32 $0x2800, s5  }
0x8: {  	[smem:$0x7FF] =	sst s3;
	s5 =	ssub.s32 $0x2, s5;
	s13 =	sor.u32 $0x1C01, s13  }
0x9: {  	s6 =	smul.u32 $0x500, s6;
	_ =	strace $0x80000047;
	s9 =	sshrl.u32 s5, $0x1  }
0xa: {  	s8 =	sadd.s32 s7, s8;
	s9 =	ssub.s32 s5, s9;
	s5 =	sadd.s32 s7, s2  }
0xb: {  	s6 =	sadd.s32 s6, s4;
	s8 =	sshrl.u32 s8, $0x3;
	s7 =	smax.u32 s9, $0x1  }
0xc: {  	s9 =	simm.s32 $0x1;
	s14 =	sshrl.u32 s5, $0x3;
	s8 =	sadd.s32 s8, s4  }
0xd: {  	v0 =	vimm.f32 $1.000000000e+00;
	v1 =	vimm.f32 $0.0e+00;
	s4 =	sadd.s32 $0x2600, s6;
	s6 =	sadd.s32 $0xC600, s8;
	s8 =	simm.s32 $0x280  }
.LBB2_1:
0xe: {  	[tilespmem:$0x2A80] =	vst v0  }
0xf: {  	[tilespmem:$0x2A90] =	vst v0  }
0x10: {  	[tilespmem:$0x2AA0] =	vst v0  }
0x11: {  	[tilespmem:$0x2AB0] =	vst v0  }
0x12: {  	[tilespmem:$0x2AC0] =	vst v0  }
0x13: {  	[tilespmem:$0x2AD0] =	vst v0  }
0x14: {  	[tilespmem:$0x2AE0] =	vst v0  }
0x15: {  	[tilespmem:$0x2AF0] =	vst v0  }
0x16: {  	[tilespmem:$0x2B00] =	vst v1  }
0x17: {  	[tilespmem:$0x2B10] =	vst v1  }
0x18: {  	[tilespmem:$0x2B20] =	vst v1  }
0x19: {  	[tilespmem:$0x2B30] =	vst v1  }
0x1a: {  	[tilespmem:$0x2B40] =	vst v1  }
0x1b: {  	[tilespmem:$0x2B50] =	vst v1  }
0x1c: {  	[tilespmem:$0x2B60] =	vst v1  }
0x1d: {  	[tilespmem:$0x2B70] =	vst v1  }
0x1e: {  	[tilespmem:$0x2B80] =	vst v1  }
0x1f: {  	[tilespmem:$0x2B90] =	vst v1  }
0x20: {  	[tilespmem:$0x2BA0] =	vst v1  }
0x21: {  	[tilespmem:$0x2BB0] =	vst v1  }
0x22: {  	[tilespmem:$0x2BC0] =	vst v1  }
0x23: {  	[tilespmem:$0x2BD0] =	vst v1  }
0x24: {  	[tilespmem:$0x2BE0] =	vst v1  }
0x25: {  	[tilespmem:$0x2BF0] =	vst v1  }
0x26: {  	[tilespmem:$0x2C00] =	vst v1  }
0x27: {  	[tilespmem:$0x2C10] =	vst v1  }
0x28: {  	[tilespmem:$0x2C20] =	vst v1  }
0x29: {  	[tilespmem:$0x2C30] =	vst v1  }
0x2a: {  	[tilespmem:$0x2C40] =	vst v1  }
0x2b: {  	[tilespmem:$0x2C50] =	vst v1  }
0x2c: {  	[tilespmem:$0x2C60] =	vst v1  }
0x2d: {  	[tilespmem:$0x2C70] =	vst v1  }
0x2e: {  	[tilespmem:$0x2C80] =	vst v1  }
0x2f: {  	[tilespmem:$0x2C90] =	vst v1  }
0x30: {  	[tilespmem:$0x2CA0] =	vst v1  }
0x31: {  	[tilespmem:$0x2CB0] =	vst v1  }
0x32: {  	[tilespmem:$0x2CC0] =	vst v1  }
0x33: {  	[tilespmem:$0x2CD0] =	vst v1  }
0x34: {  	[tilespmem:$0x2CE0] =	vst v1  }
0x35: {  	[tilespmem:$0x2CF0] =	vst v1  }
0x36: {  	[tilespmem:$0x2D00] =	vst v1  }
0x37: {  	[tilespmem:$0x2D10] =	vst v1  }
0x38: {  	[tilespmem:$0x2D20] =	vst v1  }
0x39: {  	[tilespmem:$0x2D30] =	vst v1  }
0x3a: {  	[tilespmem:$0x2D40] =	vst v1  }
0x3b: {  	[tilespmem:$0x2D50] =	vst v1  }
0x3c: {  	[tilespmem:$0x2D60] =	vst v1  }
0x3d: {  	[tilespmem:$0x2D70] =	vst v1  }
0x3e: {  	[tilespmem:s8], [sflag:$0x1] =	stream.linear.gather [hbm4b:s4+s3], $0x2800, $0x38;
	[tilespmem:$0x2D80] =	vst v63  }
0x3f: {  	_ =	swait.ge [sflag:s9], $0x2800  }
0x40: {  	[sflag:s9] =	ssyncset.done $0x0  }
0x41: {  	[sflag:s9] =	ssyncadd.s32 $0xFFFFD800  }
0x42: {  	[spmem:s5] =	stream.linear.scatter [tilespmem:s10], [sflag:$0x1], $0x280, $0x38;
	[tilespmem:$0x2D80] =	vst v63  }
0x43: {  	_ =	swait.ge [sflag:s9], $0x280  }
0x44: {  	[sflag:s9] =	ssyncset.done $0x0  }
0x45: {  	[sflag:s9] =	ssyncadd.s32 $0xFFFFFD80  }
0x46: {  	s16 =	simm.s32 $0x280;
	[bflag:$0x0] =	sbarrier.arrive $0xFFFF  }
0x47: {  	[spmem:s2] =	stream.indirect.scatter.add.f32 [tilespmem:s12], [sflag:$0x1], $0x1, s16, s11, $0xb8;
	[tilespmem:$0x2D80] =	vst v63  }
0x48: {  	s16 =	simm.s32 $0x200;
	_ =	swait.ge [sflag:s9], $0x80  }
.LBB2_2:
0x49: {  	s17 =	sshra.s32 s16, $0x2;
	[sflag:s9] =	ssyncset.done $0x0;
	p0 =	sne.s32 s16, $0x9E00  }
.Ltmp0:
0x4a: {  	s17 =	sadd.s32 $0x280, s17;
	[sflag:s9] =	ssyncadd.s32 $0xFFFFFF80;
	(pc) =	sbr.rel @p0 .LBB2_2-.Ltmp0, $3  }
0x4b: {  	[spmem:s2] =	stream.indirect.scatter.add.f32 [tilespmem:s12], [sflag:$0x1], $0x1, s17, s11, $0xb8;
	[tilespmem:$0x2D80] =	vst v63  }
0x4c: {  	s16 =	sadd.s32 $0x200, s16;
	_ =	sdelay $0x1  }
0x4d: {  	_ =	swait.ge [sflag:s9], $0x80  }
0x4e: {  	[sflag:s9] =	ssyncset.done $0x0;
	s15 =	sadd.s32 $0x1, s15  }
0x4f: {  	[sflag:s9] =	ssyncadd.s32 $0xFFFFFF80;
	p0 =	sne.s32 s15, s7  }
.Ltmp1:
0x50: {  	[bflag:$0x0] =	sbarrier.arrive $0xFFFF;
	(pc) =	sbr.rel @p0 .LBB2_1-.Ltmp1, $4  }
0x51: {  	[hbm:s6], [sflag:s13] =	dma.local [spmem:s14], $0x50  }
0x52: {  	_ =	swait.ge [sflag:s9], $0x50  }
0x53: {  	[sflag:s9] =	ssyncset.done $0x0  }
0x54: {  	[sflag:s9] =	ssyncadd.s32 $0xFFFFFFB0  }
0x55: {  	_ =	sfence.sel $0x180000  }
0x56: {  	[bflag:$0x0] =	sbarrier.arrive $0xFFFF  }
0x57: {  	p0 =	sne.s32 s1, $0x0;
	_ =	strace $0x90000047  }
0x58: {  	s0 =	sadd.s32 @!p0 $0x100000, s0;
	[bflag:$0x2] =	sbarrier.arrive $0xFFFF  }
0x59: {  	[sflag:s0] =	ssyncadd.tile.s32 @!p0 $0x1;
	_ =	shalt  }
.Lfunc_end2:
_tile_overlayer_lowered:
.L_overlay_start_2:
0x5a: {  	(tag) =	ssettag $0x2  }
0x5b: {  	s0 =	rddreg [dreg:$0x0];
	s2 =	stileid.u32  }
0x5c: {  	s1 =	rddreg [dreg:$0x1];
	p0 =	sne.s32 s2, $0x0  }
0x5d: {  	s3 =	rddreg [dreg:$0x2];
	[bflag:$0x3] =	sbarrier.arrive $0xFFFF;
	s2 =	simm.s32 @!p0 $0x1C01  }
0x5e: {  	[timem:s3], [sflag:s2] =	dma.local @!p0 [hbm:s0], s1  }
0x5f: {  	s0 =	simm.s32 @!p0 $0x1  }
0x60: {  	_ =	swait.ge @!p0 [sflag:s0], s1  }
0x61: {  	s1 =	ssub.s32 @!p0 $0x0, s1;
	[sflag:s0] =	ssyncset.done @!p0 $0x0  }
0x62: {  	[sflag:s0] =	ssyncadd.s32 @!p0 s1  }
0x63: {  	[bflag:$0x3] =	sbarrier.arrive $0xFFFF  }
0x64: {  	_ =	shalt  }

// kernel: kernel.9.cloned.1.call-start
scs
__scs_entry_jumppad:
0x0: {  	(pc) =	sbr.rel $0x88, $3  }
0x1: {  	(tag) =	ssettag $0x0;
	lr =	simm.s32 $0x1  }
0x2: {  	[smem:$0x3F95] =	sst lr;
	_ =	strace $0xD0000000  }
0x3: {  	_ = 	snop  }
0x4: {  	_ = 	snop  }
0x5: {  	_ = 	snop  }
0x6: {  	_ = 	snop  }
0x7: {  	_ = 	snop  }
__scs_overlays_trampoline_lowered:
0x8: {  	[smem:$0x3FA4] =	sst s0  }
0x9: {  	[smem:$0x3FA5] =	sst s1  }
0xa: {  	[smem:$0x3FA6] =	sst s2  }
0xb: {  	[smem:$0x3FA7] =	sst s3  }
0xc: {  	[smem:$0x3FA8] =	sst s4  }
0xd: {  	[smem:$0x3FA9] =	sst s5  }
0xe: {  	[smem:$0x3FAA] =	sst s6  }
0xf: {  	[smem:$0x3FAB] =	sst s7  }
0x10: {  	[smem:$0x3FAC] =	sst s8  }
0x11: {  	[smem:$0x3FAD] =	sst s9;
	s0 =	simm.s32 @!p0 $0x0  }
0x12: {  	s1 =	sld [smem:$0x3F93];
	s0 =	simm.s32 @p0 $0x1  }
0x13: {  	[smem:$0x3FAE] =	sst s0;
	s0 =	simm.s32 @!p1 $0x0  }
0x14: {  	s2 =	sld [smem:$0x3F92];
	s0 =	simm.s32 @p1 $0x1  }
0x15: {  	[smem:$0x3FAF] =	sst s0;
	s0 =	simm.s32 @!p2 $0x0  }
0x16: {  	s3 =	sld [smem:$0x3FDB];
	s0 =	simm.s32 @p2 $0x1  }
0x17: {  	s4 =	simm.s32 $0x1BF5;
	[smem:$0x3FB1] =	sst s0  }
0x18: {  	s0 =	sld [smem:$0x3F94];
	_ =	swait.ge [sflag:s4], $0x0  }
0x19: {  	s7 =	sld [smem:$0x3F95]  }
0x1a: {  	s8 =	sadd.s32 $0xFFFFE003, lr  }
0x1b: {  	s9 =	sadd.s32 $0xFFFFFEF7, lr;
	s5 =	simm.s32 $0xFFFFFFFF;
	p2 =	slt.u32 s8, $0xFFFFF086  }
0x1c: {  	p1 =	slt.u32 s9, $0xF7A;
	s5 =	simm.s32 @!p2 $0x0  }
0x1d: {  	s5 =	simm.s32 @p1 $0x1;
	p0 =	seq.s32 s7, s2  }
0x1e: {  	s7 =	smul.u32 @!p0 $0xF7A, s2;
	p2 =	seq.s32 @!p0 s5, $0x0  }
0x1f: {  	s9 =	smul.u32 $0xF7A, s1;
	s8 =	simm.s32 @!p0 $0x1BF5;
	p2 =	por !p2, p0  }
0x20: {  	[sflag:s8] =	ssyncset.s32 @!p0 $0xFFFFF086;
	s6 =	sadd.s32 @!p0 s3, s7;
	s7 =	simm.s32 @!p0 $0x108  }
0x21: {  	s3 =	sadd.s32 s3, s9;
	s6 =	sadd.s32 @!p0 $0x88, s6;
	s7 =	simm.s32 @p2 $0x1082  }
0x22: {  	[simem:s7], [sflag:s8] =	dma.local @!p0 [hbm:s6], $0xF7A  }
0x23: {  	s9 =	sor.u32 $0xD0000000, s2;
	s6 =	simm.s32 $0x108;
	_ =	swait.ge @!p0 [sflag:s8], $0x0  }
0x24: {  	s3 =	sadd.s32 $0x88, s3;
	s6 =	simm.s32 @!p1 $0x1082;
	[sflag:s4] =	ssyncset.s32 $0xFFFFF086  }
0x25: {  	[simem:s6], [sflag:s4] =	dma.local [hbm:s3], $0xF7A  }
0x26: {  	[smem:$0x3F95] =	sst s1;
	(tag) =	ssettag s2;
	_ =	strace s9  }
0x27: {  	s1 =	sld [smem:$0x3FA5]  }
0x28: {  	s2 =	sld [smem:$0x3FA6]  }
0x29: {  	s4 =	sld [smem:$0x3FA8]  }
0x2a: {  	p0 =	seq.s32 s5, $0x0;
	s5 =	sld [smem:$0x3FA9]  }
0x2b: {  	s6 =	sld [smem:$0x3FAA]  }
0x2c: {  	s7 =	sld [smem:$0x3FAB]  }
0x2d: {  	s3 =	simm.s32 $0x108;
	s8 =	sld [smem:$0x3FAC]  }
0x2e: {  	s3 =	simm.s32 @!p0 $0x1082;
	s9 =	sld [smem:$0x3FAD]  }
0x2f: {  	lr =	sadd.s32 s0, s3;
	s0 =	sld [smem:$0x3FA4]  }
0x30: {  	s3 =	sld [smem:$0x3FA7]  }
0x31: {  	[smem:$0x3FB0] =	sst s10  }
0x32: {  	s10 =	sld [smem:$0x3FAE];
	_ =	sdelay $0x3  }
0x33: {  	p0 =	seq.s32 s10, $0x1;
	s10 =	sld [smem:$0x3FB0];
	_ =	sdelay $0x3  }
0x34: {  	[smem:$0x3FB0] =	sst s10  }
0x35: {  	s10 =	sld [smem:$0x3FAF];
	_ =	sdelay $0x3  }
0x36: {  	p1 =	seq.s32 s10, $0x1;
	s10 =	sld [smem:$0x3FB0];
	_ =	sdelay $0x3  }
0x37: {  	[smem:$0x3FB0] =	sst s10  }
0x38: {  	s10 =	sld [smem:$0x3FB1]  }
0x39: {  	_ = 	snop;
	(pc) =	sbr.ind lr, $3  }
0x3a: {  	_ = 	snop  }
0x3b: {  	_ = 	snop  }
0x3c: {  	p2 =	seq.s32 s10, $0x1;
	s10 =	sld [smem:$0x3FB0]  }
0x3d: {  	_ =	shalt  }
0x3e: {  	_ =	shalt  }
0x3f: {  	_ =	shalt  }
0x40: {  	_ =	shalt  }
0x41: {  	_ =	shalt  }
0x42: {  	_ =	shalt  }
0x43: {  	_ =	shalt  }
0x44: {  	_ =	shalt  }
0x45: {  	_ =	shalt  }
0x46: {  	_ =	shalt  }
0x47: {  	_ =	shalt  }
0x48: {  	_ =	shalt  }
0x49: {  	_ =	shalt  }
0x4a: {  	_ =	shalt  }
0x4b: {  	_ =	shalt  }
0x4c: {  	_ =	shalt  }
0x4d: {  	_ =	shalt  }
0x4e: {  	_ =	shalt  }
0x4f: {  	_ =	shalt  }
0x50: {  	_ =	shalt  }
0x51: {  	_ =	shalt  }
0x52: {  	_ =	shalt  }
0x53: {  	_ =	shalt  }
0x54: {  	_ =	shalt  }
0x55: {  	_ =	shalt  }
0x56: {  	_ =	shalt  }
0x57: {  	_ =	shalt  }
0x58: {  	_ =	shalt  }
0x59: {  	_ =	shalt  }
0x5a: {  	_ =	shalt  }
0x5b: {  	_ =	shalt  }
0x5c: {  	_ =	shalt  }
0x5d: {  	_ =	shalt  }
0x5e: {  	_ =	shalt  }
0x5f: {  	_ =	shalt  }
0x60: {  	_ =	shalt  }
0x61: {  	_ =	shalt  }
0x62: {  	_ =	shalt  }
0x63: {  	_ =	shalt  }
0x64: {  	_ =	shalt  }
0x65: {  	_ =	shalt  }
0x66: {  	_ =	shalt  }
0x67: {  	_ =	shalt  }
0x68: {  	_ =	shalt  }
0x69: {  	_ =	shalt  }
0x6a: {  	_ =	shalt  }
0x6b: {  	_ =	shalt  }
0x6c: {  	_ =	shalt  }
0x6d: {  	_ =	shalt  }
0x6e: {  	_ =	shalt  }
0x6f: {  	_ =	shalt  }
0x70: {  	_ =	shalt  }
0x71: {  	_ =	shalt  }
0x72: {  	_ =	shalt  }
0x73: {  	_ =	shalt  }
0x74: {  	_ =	shalt  }
0x75: {  	_ =	shalt  }
0x76: {  	_ =	shalt  }
0x77: {  	_ =	shalt  }
0x78: {  	_ =	shalt  }
0x79: {  	_ =	shalt  }
0x7a: {  	_ =	shalt  }
0x7b: {  	_ =	shalt  }
0x7c: {  	_ =	shalt  }
0x7d: {  	_ =	shalt  }
0x7e: {  	_ =	shalt  }
0x7f: {  	_ =	shalt  }
0x80: {  	_ =	shalt  }
0x81: {  	_ =	shalt  }
0x82: {  	_ =	shalt  }
0x83: {  	_ =	shalt  }
0x84: {  	_ =	shalt  }
0x85: {  	_ =	shalt  }
0x86: {  	_ =	shalt  }
0x87: {  	_ =	shalt  }
.Lfunc_end0:
.L_simem_size_0:
called_computation.1_lowered:
.L_overlay_start_0:
0x88: {  	s2 =	sld [smem:$0x3FD9]  }
0x89: {  	s3 =	sld [smem:$0x3FFE];
	_ =	sdelay $0x1  }
0x8a: {  	s1 =	srdreg.scid  }
0x8b: {  	s0 =	sand.u32 $0x1, s1  }
0x8c: {  	s16 =	sshll.u32 s0, $0xA;
	s2 =	sadd.s32 s3, s2  }
0x8d: {  	s2 =	sadd.s32 s2, s16  }
0x8e: {  	[smem:$0x3FBC] =	sst s2  }
0x8f: {  	_ = 	snop  }
0x90: {  	(tm) =	ssettm $0x1  }
0x91: {  	s17 =	sld [smem:$0x3FFB];
	_ =	sdelay $0x3  }
0x92: {  	_ =	strace s17  }
0x93: {  	s2 =	sld [smem:$0x3FFC];
	_ =	sdelay $0x3  }
0x94: {  	_ =	strace s2  }
0x95: {  	s2 =	sld [smem:$0x3FFD];
	_ =	sdelay $0x3  }
0x96: {  	_ =	strace s2  }
0x97: {  	_ =	strace $0x8FFFFFFF  }
0x98: {  	s18 =	sld [smem:$0x3FDB];
	_ =	sdelay $0x1  }
0x99: {  	s19 =	simm.s32 $_scs_section_size  }
0x9a: {  	s4 =	simm.s32 $_size__tile_overlayer_lowered;
	s5 =	simm.s32 $_tile_overlayer_lowered  }
0x9b: {  	s22 =	simm.s32 $0x1BFF;
	s21 =	sshll.u32 s5, $0x1;
	s2 =	sadd.s32 s19, s18  }
0x9c: {  	s6 =	simm.s32 $0x0;
	s20 =	sshll.u32 s4, $0x1;
	s4 =	sadd.s32 s21, s2  }
0x9d: {  	[timem:s6], [sflag:s22] =	dma.local [hbm:s4], s20  }
0x9e: {  	_ =	swait.ge [sflag:s22], s20  }
0x9f: {  	s3 =	ssub.s32 $0x0, s20;
	[sflag:s22] =	ssyncset.done $0x0  }
0xa0: {  	[sflag:s22] =	ssyncadd.s32 s3;
	_ =	sdelay $0x1  }
0xa1: {  	s23 =	simm.s32 $0x1B8B  }
0xa2: {  	_ =	swait.ge [sflag:s23], $0x1  }
0xa3: {  	[sflag:s23] =	ssyncset.done $0x0  }
0xa4: {  	s25 =	simm.s32 $0x1B8E;
	s24 =	sld [smem:$0x3FFE];
	[sflag:s23] =	ssyncadd.s32 $0xFFFFFFFF  }
0xa5: {  	s26 =	simm.s32 $execute0_lowered;
	[smem:$0x3FD2] =	sst s25  }
0xa6: {  	s4 =	sshll.u32 s26, $0x1;
	_ =	strace $0x80000049;
	[dreg:$0x1] =	wrdreg $0xFFFFFFFF  }
0xa7: {  	s28 =	simm.s32 $_size_execute0_lowered;
	s2 =	sadd.s32 s2, s4;
	[dreg:$0x0] =	wrdreg $0x0  }
0xa8: {  	s4 =	sshll.u32 s28, $0x1;
	[dreg:$0x2] =	wrdreg s2  }
0xa9: {  	[dreg:$0x3] =	wrdreg s4  }
0xaa: {  	[dreg:$0x4] =	wrdreg $0xC0  }
0xab: {  	_ =	task [dreg:s6], $0x5FFFF  }
0xac: {  	[dreg:$0x1] =	wrdreg $0xFFFFFFFF  }
0xad: {  	[dreg:$0x0] =	wrdreg $0x60  }
0xae: {  	[dreg:$0x2] =	wrdreg s24  }
0xaf: {  	[dreg:$0x3] =	wrdreg $0x0  }
0xb0: {  	[dreg:$0x4] =	wrdreg $0x140000  }
0xb1: {  	[dreg:$0x5] =	wrdreg $0x9  }
0xb2: {  	_ =	task.clear_ibuf [dreg:s6], $0x6FFFF;
	_ =	strace $0x90000049  }
0xb3: {  	s29 =	simm.s32 $0x9;
	_ =	strace $0x8000004B  }
0xb4: {  	_ =	swait.ge [sflag:s29], $0x1  }
0xb5: {  	[sflag:s29] =	ssyncadd.s32 $0xFFFFFFFF  }
0xb6: {  	_ =	strace $0x9000004B  }
0xb7: {  	_ =	sfence  }
0xb8: {  	s30 =	sld [smem:$0x0];
	_ =	sdelay $0x2  }
0xb9: {  	s31 =	sshll.u32 s1, $0xD;
	s1 =	sshrl.u32 s1, $0x2  }
0xba: {  	s3 =	sand.u32 $0x4000, s31;
	s1 =	sadd.s32 s1, s30  }
0xbb: {  	s0 =	sor.u32 s3, s0;
	s1 =	sshll.u32 s1, $0x11  }
0xbc: {  	s0 =	sor.u32 s1, s0  }
0xbd: {  	s0 =	sadd.s32 $0x8F2B, s0  }
0xbe: {  	[sflag:s0] =	ssyncadd.remote.s32 $0x1  }
0xbf: {  	_ =	sfence.sel $0xFFFF  }
0xc0: {  	[dreg:$0x0] =	wrdreg $0xFFFFFFFF;
	(pc) =	sbr.abs _section_cstart, $3  }
0xc1: {  	[dreg:$0x1] =	wrdreg $0xFFFFFFFF  }
0xc2: {  	_ =	task.clear_ibuf [dreg:s6], $0x2FFFF;
	_ =	strace $0x9FFFFFFF  }
0xc3: {  	(tm) =	ssettm $0x7FFFFFFF  }
tec
execute0_lowered:
.L_overlay_start_1:
0x0: {  	(tag) =	ssettag $0x1  }
0x1: {  	s0 =	rddreg [dreg:$0x0]  }
0x2: {  	s2 =	rddreg [dreg:$0x1]  }
0x3: {  	s3 =	rddreg [dreg:$0x2]  }
0x4: {  	s15 =	stileid.u32;
	s1 =	srdreg.scid;
	s5 =	simm.s32 $0x0  }
0x5: {  	s28 =	simm.s32 $0x1;
	s29 =	simm.s32 $0x3;
	s30 =	simm.s32 $0x2  }
0x6: {  	s31 =	simm.s32 $0x4;
	s1 =	sand.u32 $0x1, s1;
	s4 =	smul.u32 $0x280, s15  }
0x7: {  	[smem:$0x7FF] =	sst s5;
	s7 =	sadd.s32 $0xD000, s0;
	s10 =	sadd.s32 $0x2600, s0  }
0x8: {  	s8 =	smul.u32 $0x2800, s15;
	s5 =	sadd.s32 $0x17000, s0;
	s6 =	sadd.s32 $0xC600, s0  }
0x9: {  	s13 =	sshll.u32 s15, $0x1;
	s14 =	smul.u32 $0x50000, s15;
	s22 =	sshll.u32 s15, $0x6  }
0xa: {  	s18 =	smul.u32 $0x2800, s1;
	_ =	strace $0x8000004A;
	s12 =	ssub.s32 $0x2, s1  }
0xb: {  	s1 =	sor.u32 s1, s13;
	s8 =	sadd.s32 s8, s0;
	s19 =	sshrl.u32 s12, $0x1  }
0xc: {  	s20 =	sshrl.u32 s14, $0x2;
	s1 =	smul.u32 $0x2800, s1;
	s9 =	sadd.s32 s4, s18  }
0xd: {  	s12 =	ssub.s32 s12, s19;
	s21 =	sadd.s32 s20, s2;
	s8 =	sadd.s32 $0x3F000, s8  }
0xe: {  	s18 =	simm.s32 $0x5;
	s20 =	simm.s32 $0x14280;
	s19 =	simm.s32 $0x16980  }
0xf: {  	s11 =	sshll.u32 s9, $0x4;
	s9 =	sshrl.u32 s9, $0x3;
	[dreg:$0x4] =	wrdreg s8  }
0x10: {  	s8 =	sor.u32 $0x1C05, s22;
	s1 =	sshrl.u32 s1, $0x3;
	s16 =	smax.u32 s12, $0x1  }
0x11: {  	s17 =	sshrl.u32 s21, $0x3;
	s21 =	simm.s32 $0x15680;
	s22 =	simm.s32 $0x80  }
0x12: {  	s11 =	sadd.s32 s11, s0;
	s0 =	sadd.s32 s9, s0;
	s23 =	sadd.s32 s7, s1  }
0x13: {  	s24 =	sadd.s32 s10, s1;
	s1 =	sadd.s32 $0x280, s1;
	[dreg:$0x5] =	wrdreg s23  }
0x14: {  	s9 =	sadd.s32 s4, s3;
	[dreg:$0x6] =	wrdreg s24;
	s25 =	sadd.s32 s7, s1  }
0x15: {  	s4 =	simm.s32 $0x15580;
	s1 =	sadd.s32 s10, s1;
	[dreg:$0x7] =	wrdreg s25  }
0x16: {  	s26 =	sadd.s32 $0x67A00, s11;
	s0 =	sadd.s32 $0x67000, s0;
	[dreg:$0x8] =	wrdreg s1  }
0x17: {  	s23 =	simm.s32 $0x16A80;
	s24 =	simm.s32 $0x1EA80;
	[dreg:$0x9] =	wrdreg s26  }
0x18: {  	s7 =	simm.s32 $0x0;
	[dreg:$0xa] =	wrdreg s0;
	s25 =	simm.s32 $0x1AA80  }
0x19: {  	v0 =	vimm.f32 $0.0e+00;
	s26 =	simm.s32 $0x1EB00;
	s0 =	simm.s32 $0x15600;
	s1 =	simm.s32 $0x16A00  }
.LBB2_1:
0x1a: {  	s10 =	rddreg [dreg:$0x4]  }
0x1b: {  	[spmem:s17], [sflag:s8] =	dma.local [hbm:s10], $0x2800  }
0x1c: {  	_ =	swait.ge [sflag:s18], $0x2800  }
0x1d: {  	[sflag:s18] =	ssyncset.done $0x0  }
0x1e: {  	[sflag:s18] =	ssyncadd.s32 $0xFFFFD800  }
0x1f: {  	[tilespmem:$0x1EB80] =	vst v0  }
0x20: {  	[tilespmem:$0x1EB90] =	vst v0  }
0x21: {  	[tilespmem:$0x1EBA0] =	vst v0  }
0x22: {  	[tilespmem:$0x1EBB0] =	vst v0  }
0x23: {  	[tilespmem:$0x1EBC0] =	vst v0  }
0x24: {  	[tilespmem:$0x1EBD0] =	vst v0  }
0x25: {  	[tilespmem:$0x1EBE0] =	vst v0  }
0x26: {  	[tilespmem:$0x1EBF0] =	vst v0  }
0x27: {  	[tilespmem:$0x1EC00] =	vst v0  }
0x28: {  	[tilespmem:$0x1EC10] =	vst v0  }
0x29: {  	[tilespmem:$0x1EC20] =	vst v0  }
0x2a: {  	[tilespmem:$0x1EC30] =	vst v0  }
0x2b: {  	[tilespmem:$0x1EC40] =	vst v0  }
0x2c: {  	[tilespmem:$0x1EC50] =	vst v0  }
0x2d: {  	[tilespmem:$0x1EC60] =	vst v0  }
0x2e: {  	[tilespmem:$0x1EC70] =	vst v0  }
0x2f: {  	[tilespmem:$0x1EC80] =	vst v0  }
0x30: {  	[tilespmem:$0x1EC90] =	vst v0  }
0x31: {  	[tilespmem:$0x1ECA0] =	vst v0  }
0x32: {  	[tilespmem:$0x1ECB0] =	vst v0  }
0x33: {  	[tilespmem:$0x1ECC0] =	vst v0  }
0x34: {  	[tilespmem:$0x1ECD0] =	vst v0  }
0x35: {  	[tilespmem:$0x1ECE0] =	vst v0  }
0x36: {  	[tilespmem:$0x1ECF0] =	vst v0  }
0x37: {  	[tilespmem:$0x1ED00] =	vst v0  }
0x38: {  	[tilespmem:$0x1ED10] =	vst v0  }
0x39: {  	[tilespmem:$0x1ED20] =	vst v0  }
0x3a: {  	[tilespmem:$0x1ED30] =	vst v0  }
0x3b: {  	[tilespmem:$0x1ED40] =	vst v0  }
0x3c: {  	[tilespmem:$0x1ED50] =	vst v0  }
0x3d: {  	[tilespmem:$0x1ED60] =	vst v0  }
0x3e: {  	[tilespmem:$0x1ED70] =	vst v0  }
0x3f: {  	[tilespmem:$0x1ED80] =	vst v0  }
0x40: {  	[tilespmem:$0x1ED90] =	vst v0  }
0x41: {  	[tilespmem:$0x1EDA0] =	vst v0  }
0x42: {  	[tilespmem:$0x1EDB0] =	vst v0  }
0x43: {  	[tilespmem:$0x1EDC0] =	vst v0  }
0x44: {  	[tilespmem:$0x1EDD0] =	vst v0  }
0x45: {  	[tilespmem:$0x1EDE0] =	vst v0  }
0x46: {  	s14 =	simm.s32 $0x1EB80;
	[tilespmem:$0x1EDF0] =	vst v0  }
0x47: {  	[spmem:s9] =	stream.linear.scatter [tilespmem:s14], [sflag:$0x5], $0x280, $0x38;
	[tilespmem:$0x1EE00] =	vst v63  }
0x48: {  	_ =	swait.ge [sflag:s18], $0x280  }
0x49: {  	[sflag:s18] =	ssyncset.done $0x0  }
0x4a: {  	[sflag:s18] =	ssyncadd.s32 $0xFFFFFD80  }
0x4b: {  	[bflag:$0x0] =	sbarrier.arrive $0xFFFF  }
0x4c: {  	s15 =	simm.s32 $0x0;
	s11 =	rddreg [dreg:$0x5]  }
0x4d: {  	[tilespmem:s20], [sflag:$0x5] =	stream.linear.gather [hbm4b:s11+s15], $0x1400, $0x38;
	[tilespmem:$0x1EE00] =	vst v63  }
0x4e: {  	_ =	swait.ge [sflag:s18], $0x1400  }
0x4f: {  	[sflag:s18] =	ssyncset.done $0x0  }
0x50: {  	s12 =	rddreg [dreg:$0x6];
	[sflag:s18] =	ssyncadd.s32 $0xFFFFEC00  }
0x51: {  	[tilespmem:s21], [sflag:$0x5] =	stream.linear.gather [hbm4b:s12+s15], $0x1400, $0x38;
	[tilespmem:$0x1EE00] =	vst v63  }
0x52: {  	_ =	swait.ge [sflag:s18], $0x1400  }
0x53: {  	[sflag:s18] =	ssyncset.done $0x0  }
0x54: {  	[sflag:s18] =	ssyncadd.s32 $0xFFFFEC00  }
0x55: {  	[tilespmem:s23], [sflag:$0x1] =	stream.indirect.gather [hbm4b:s5+s22], $0x80, s20, s22, $0xb8;
	[tilespmem:$0x1EE00] =	vst v63  }
0x56: {  	_ = 	snop  }
0x57: {  	[tilespmem:s24], [sflag:$0x3] =	stream.indirect.gather [hbm4b:s6+s22], $0x1, s21, s22, $0xb8;
	[tilespmem:$0x1EE00] =	vst v63  }
0x58: {  	s10 =	simm.s32 $0x14300  }
0x59: {  	[tilespmem:s25], [sflag:$0x2] =	stream.indirect.gather [hbm4b:s5+s22], $0x80, s10, s22, $0xb8;
	[tilespmem:$0x1EE00] =	vst v63  }
0x5a: {  	s11 =	simm.s32 $0x15700  }
0x5b: {  	[tilespmem:s26], [sflag:$0x4] =	stream.indirect.gather [hbm4b:s6+s22], $0x1, s11, s22, $0xb8;
	[tilespmem:$0x1EE00] =	vst v63  }
0x5c: {  	_ =	swait.ge [sflag:s28], $0x4000  }
0x5d: {  	[sflag:s28] =	ssyncset.done $0x0  }
0x5e: {  	s12 =	simm.s32 $0x15680;
	[sflag:s28] =	ssyncadd.s32 $0xFFFFC000  }
0x5f: {  	[spmem:s2] =	stream.indirect.scatter.add.f32 [tilespmem:s23], [sflag:$0x5], $0x80, s12, s22, $0xb8;
	[tilespmem:$0x1EE00] =	vst v63  }
0x60: {  	_ =	swait.ge [sflag:s18], $0x4000  }
0x61: {  	[sflag:s18] =	ssyncset.done $0x0  }
0x62: {  	[sflag:s18] =	ssyncadd.s32 $0xFFFFC000  }
0x63: {  	_ =	swait.ge [sflag:s29], $0x80  }
0x64: {  	[sflag:s29] =	ssyncset.done $0x0  }
0x65: {  	s13 =	simm.s32 $0x14280;
	[sflag:s29] =	ssyncadd.s32 $0xFFFFFF80  }
0x66: {  	[spmem:s3] =	stream.indirect.scatter.add.f32 [tilespmem:s24], [sflag:$0x5], $0x1, s13, s22, $0xb8;
	[tilespmem:$0x1EE00] =	vst v63  }
0x67: {  	_ =	swait.ge [sflag:s18], $0x80  }
0x68: {  	[sflag:s18] =	ssyncset.done $0x0  }
0x69: {  	s14 =	simm.s32 $0x14380;
	[sflag:s18] =	ssyncadd.s32 $0xFFFFFF80  }
0x6a: {  	[tilespmem:s23], [sflag:$0x1] =	stream.indirect.gather [hbm4b:s5+s22], $0x80, s14, s22, $0xb8;
	[tilespmem:$0x1EE00] =	vst v63  }
0x6b: {  	s15 =	simm.s32 $0x15780  }
0x6c: {  	[tilespmem:s24], [sflag:$0x3] =	stream.indirect.gather [hbm4b:s6+s22], $0x1, s15, s22, $0xb8;
	[tilespmem:$0x1EE00] =	vst v63  }
0x6d: {  	_ =	swait.ge [sflag:s30], $0x4000  }
0x6e: {  	[sflag:s30] =	ssyncset.done $0x0  }
0x6f: {  	[sflag:s30] =	ssyncadd.s32 $0xFFFFC000  }
0x70: {  	[spmem:s2] =	stream.indirect.scatter.add.f32 [tilespmem:s25], [sflag:$0x5], $0x80, s11, s22, $0xb8;
	[tilespmem:$0x1EE00] =	vst v63  }
0x71: {  	_ =	swait.ge [sflag:s18], $0x4000  }
0x72: {  	[sflag:s18] =	ssyncset.done $0x0  }
0x73: {  	[sflag:s18] =	ssyncadd.s32 $0xFFFFC000  }
0x74: {  	_ =	swait.ge [sflag:s31], $0x80  }
0x75: {  	[sflag:s31] =	ssyncset.done $0x0  }
0x76: {  	[sflag:s31] =	ssyncadd.s32 $0xFFFFFF80  }
0x77: {  	[spmem:s3] =	stream.indirect.scatter.add.f32 [tilespmem:s26], [sflag:$0x5], $0x1, s10, s22, $0xb8;
	[tilespmem:$0x1EE00] =	vst v63  }
0x78: {  	_ =	swait.ge [sflag:s18], $0x80  }
0x79: {  	s11 =	simm.s32 $0x800;
	s10 =	simm.s32 $0x100;
	[sflag:s18] =	ssyncset.done $0x0  }
.LBB2_2:
0x7a: {  	s13 =	sadd.s32 $0x14300, s10  }
0x7b: {  	[sflag:s18] =	ssyncadd.s32 $0xFFFFFF80;
	s12 =	smov.u32 s11;
	s14 =	sadd.s32 $0x400, s11  }
0x7c: {  	[tilespmem:s25], [sflag:$0x2] =	stream.indirect.gather [hbm4b:s5+s22], $0x80, s13, s22, $0xb8;
	[tilespmem:$0x1EE00] =	vst v63  }
0x7d: {  	p0 =	sne.s32 s11, $0x4800;
	s11 =	sadd.s32 $0x15700, s10  }
0x7e: {  	[tilespmem:s26], [sflag:$0x4] =	stream.indirect.gather [hbm4b:s6+s22], $0x1, s11, s22, $0xb8;
	[tilespmem:$0x1EE00] =	vst v63  }
0x7f: {  	_ =	swait.ge [sflag:s28], $0x4000  }
0x80: {  	[sflag:s28] =	ssyncset.done $0x0  }
0x81: {  	s15 =	sadd.s32 $0x15680, s10;
	[sflag:s28] =	ssyncadd.s32 $0xFFFFC000  }
0x82: {  	[spmem:s2] =	stream.indirect.scatter.add.f32 [tilespmem:s23], [sflag:$0x5], $0x80, s15, s22, $0xb8;
	[tilespmem:$0x1EE00] =	vst v63  }
0x83: {  	_ =	swait.ge [sflag:s18], $0x4000  }
0x84: {  	[sflag:s18] =	ssyncset.done $0x0  }
0x85: {  	[sflag:s18] =	ssyncadd.s32 $0xFFFFC000  }
0x86: {  	_ =	swait.ge [sflag:s29], $0x80  }
0x87: {  	[sflag:s29] =	ssyncset.done $0x0  }
0x88: {  	s15 =	sadd.s32 $0x14280, s10;
	[sflag:s29] =	ssyncadd.s32 $0xFFFFFF80  }
0x89: {  	[spmem:s3] =	stream.indirect.scatter.add.f32 [tilespmem:s24], [sflag:$0x5], $0x1, s15, s22, $0xb8;
	[tilespmem:$0x1EE00] =	vst v63  }
0x8a: {  	_ =	swait.ge [sflag:s18], $0x80  }
0x8b: {  	[sflag:s18] =	ssyncset.done $0x0  }
0x8c: {  	s15 =	sadd.s32 $0x14380, s10;
	[sflag:s18] =	ssyncadd.s32 $0xFFFFFF80  }
0x8d: {  	[tilespmem:s23], [sflag:$0x1] =	stream.indirect.gather [hbm4b:s5+s22], $0x80, s15, s22, $0xb8;
	[tilespmem:$0x1EE00] =	vst v63  }
0x8e: {  	s10 =	sadd.s32 $0x15780, s10  }
0x8f: {  	[tilespmem:s24], [sflag:$0x3] =	stream.indirect.gather [hbm4b:s6+s22], $0x1, s10, s22, $0xb8;
	[tilespmem:$0x1EE00] =	vst v63  }
0x90: {  	_ =	swait.ge [sflag:s30], $0x4000  }
0x91: {  	[sflag:s30] =	ssyncset.done $0x0  }
0x92: {  	[sflag:s30] =	ssyncadd.s32 $0xFFFFC000  }
0x93: {  	[spmem:s2] =	stream.indirect.scatter.add.f32 [tilespmem:s25], [sflag:$0x5], $0x80, s11, s22, $0xb8;
	[tilespmem:$0x1EE00] =	vst v63  }
0x94: {  	_ =	swait.ge [sflag:s18], $0x4000  }
0x95: {  	[sflag:s18] =	ssyncset.done $0x0  }
0x96: {  	[sflag:s18] =	ssyncadd.s32 $0xFFFFC000  }
0x97: {  	_ =	swait.ge [sflag:s31], $0x80  }
.Ltmp0:
0x98: {  	[sflag:s31] =	ssyncset.done $0x0;
	(pc) =	sbr.rel @p0 .LBB2_2-.Ltmp0, $4  }
0x99: {  	[sflag:s31] =	ssyncadd.s32 $0xFFFFFF80  }
0x9a: {  	[spmem:s3] =	stream.indirect.scatter.add.f32 [tilespmem:s26], [sflag:$0x5], $0x1, s13, s22, $0xb8;
	[tilespmem:$0x1EE00] =	vst v63  }
0x9b: {  	_ =	swait.ge [sflag:s18], $0x80  }
0x9c: {  	s10 =	sshra.s32 s12, $0x2;
	s11 =	smov.u32 s14;
	[sflag:s18] =	ssyncset.done $0x0  }
0x9d: {  	s11 =	sadd.s32 $0x14300, s10;
	[sflag:s18] =	ssyncadd.s32 $0xFFFFFF80  }
0x9e: {  	[tilespmem:s25], [sflag:$0x2] =	stream.indirect.gather [hbm4b:s5+s22], $0x80, s11, s22, $0xb8;
	[tilespmem:$0x1EE00] =	vst v63  }
0x9f: {  	s12 =	sadd.s32 $0x15700, s10  }
0xa0: {  	[tilespmem:s26], [sflag:$0x4] =	stream.indirect.gather [hbm4b:s6+s22], $0x1, s12, s22, $0xb8;
	[tilespmem:$0x1EE00] =	vst v63  }
0xa1: {  	_ =	swait.ge [sflag:s28], $0x4000  }
0xa2: {  	[sflag:s28] =	ssyncset.done $0x0  }
0xa3: {  	s13 =	sadd.s32 $0x15680, s10;
	[sflag:s28] =	ssyncadd.s32 $0xFFFFC000  }
0xa4: {  	[spmem:s2] =	stream.indirect.scatter.add.f32 [tilespmem:s23], [sflag:$0x5], $0x80, s13, s22, $0xb8;
	[tilespmem:$0x1EE00] =	vst v63  }
0xa5: {  	_ =	swait.ge [sflag:s18], $0x4000  }
0xa6: {  	[sflag:s18] =	ssyncset.done $0x0  }
0xa7: {  	[sflag:s18] =	ssyncadd.s32 $0xFFFFC000  }
0xa8: {  	_ =	swait.ge [sflag:s29], $0x80  }
0xa9: {  	[sflag:s29] =	ssyncset.done $0x0  }
0xaa: {  	s15 =	sadd.s32 $0x14280, s10;
	[sflag:s29] =	ssyncadd.s32 $0xFFFFFF80  }
0xab: {  	[spmem:s3] =	stream.indirect.scatter.add.f32 [tilespmem:s24], [sflag:$0x5], $0x1, s15, s22, $0xb8;
	[tilespmem:$0x1EE00] =	vst v63  }
0xac: {  	_ =	swait.ge [sflag:s18], $0x80  }
0xad: {  	[sflag:s18] =	ssyncset.done $0x0  }
0xae: {  	s14 =	sadd.s32 $0x14380, s10;
	[sflag:s18] =	ssyncadd.s32 $0xFFFFFF80  }
0xaf: {  	[tilespmem:s23], [sflag:$0x1] =	stream.indirect.gather [hbm4b:s5+s22], $0x80, s14, s22, $0xb8;
	[tilespmem:$0x1EE00] =	vst v63  }
0xb0: {  	s15 =	sadd.s32 $0x15780, s10  }
0xb1: {  	[tilespmem:s24], [sflag:$0x3] =	stream.indirect.gather [hbm4b:s6+s22], $0x1, s15, s22, $0xb8;
	[tilespmem:$0x1EE00] =	vst v63  }
0xb2: {  	_ =	swait.ge [sflag:s30], $0x4000  }
0xb3: {  	[sflag:s30] =	ssyncset.done $0x0  }
0xb4: {  	[sflag:s30] =	ssyncadd.s32 $0xFFFFC000  }
0xb5: {  	[spmem:s2] =	stream.indirect.scatter.add.f32 [tilespmem:s25], [sflag:$0x5], $0x80, s12, s22, $0xb8;
	[tilespmem:$0x1EE00] =	vst v63  }
0xb6: {  	_ =	swait.ge [sflag:s18], $0x4000  }
0xb7: {  	[sflag:s18] =	ssyncset.done $0x0  }
0xb8: {  	[sflag:s18] =	ssyncadd.s32 $0xFFFFC000  }
0xb9: {  	_ =	swait.ge [sflag:s31], $0x80  }
0xba: {  	[sflag:s31] =	ssyncset.done $0x0  }
0xbb: {  	[sflag:s31] =	ssyncadd.s32 $0xFFFFFF80  }
0xbc: {  	[spmem:s3] =	stream.indirect.scatter.add.f32 [tilespmem:s26], [sflag:$0x5], $0x1, s11, s22, $0xb8;
	[tilespmem:$0x1EE00] =	vst v63  }
0xbd: {  	_ =	swait.ge [sflag:s18], $0x80  }
0xbe: {  	[sflag:s18] =	ssyncset.done $0x0  }
0xbf: {  	[sflag:s18] =	ssyncadd.s32 $0xFFFFFF80  }
0xc0: {  	[tilespmem:s25], [sflag:$0x2] =	stream.indirect.gather [hbm4b:s5+s22], $0x80, s0, s22, $0xb8;
	[tilespmem:$0x1EE00] =	vst v63  }
0xc1: {  	_ = 	snop  }
0xc2: {  	[tilespmem:s26], [sflag:$0x4] =	stream.indirect.gather [hbm4b:s6+s22], $0x1, s1, s22, $0xb8;
	[tilespmem:$0x1EE00] =	vst v63  }
0xc3: {  	_ =	swait.ge [sflag:s28], $0x4000  }
0xc4: {  	[sflag:s28] =	ssyncset.done $0x0  }
0xc5: {  	[sflag:s28] =	ssyncadd.s32 $0xFFFFC000  }
0xc6: {  	[spmem:s2] =	stream.indirect.scatter.add.f32 [tilespmem:s23], [sflag:$0x5], $0x80, s19, s22, $0xb8;
	[tilespmem:$0x1EE00] =	vst v63  }
0xc7: {  	_ =	swait.ge [sflag:s18], $0x4000  }
0xc8: {  	[sflag:s18] =	ssyncset.done $0x0  }
0xc9: {  	[sflag:s18] =	ssyncadd.s32 $0xFFFFC000  }
0xca: {  	_ =	swait.ge [sflag:s29], $0x80  }
0xcb: {  	[sflag:s29] =	ssyncset.done $0x0  }
0xcc: {  	[sflag:s29] =	ssyncadd.s32 $0xFFFFFF80  }
0xcd: {  	[spmem:s3] =	stream.indirect.scatter.add.f32 [tilespmem:s24], [sflag:$0x5], $0x1, s4, s22, $0xb8;
	[tilespmem:$0x1EE00] =	vst v63  }
0xce: {  	_ =	swait.ge [sflag:s18], $0x80  }
0xcf: {  	[sflag:s18] =	ssyncset.done $0x0  }
0xd0: {  	[sflag:s18] =	ssyncadd.s32 $0xFFFFFF80  }
0xd1: {  	_ =	swait.ge [sflag:s30], $0x4000  }
0xd2: {  	[sflag:s30] =	ssyncset.done $0x0  }
0xd3: {  	[sflag:s30] =	ssyncadd.s32 $0xFFFFC000  }
0xd4: {  	[spmem:s2] =	stream.indirect.scatter.add.f32 [tilespmem:s25], [sflag:$0x5], $0x80, s1, s22, $0xb8;
	[tilespmem:$0x1EE00] =	vst v63  }
0xd5: {  	_ =	swait.ge [sflag:s18], $0x4000  }
0xd6: {  	[sflag:s18] =	ssyncset.done $0x0  }
0xd7: {  	[sflag:s18] =	ssyncadd.s32 $0xFFFFC000  }
0xd8: {  	_ =	swait.ge [sflag:s31], $0x80  }
0xd9: {  	[sflag:s31] =	ssyncset.done $0x0  }
0xda: {  	[sflag:s31] =	ssyncadd.s32 $0xFFFFFF80  }
0xdb: {  	[spmem:s3] =	stream.indirect.scatter.add.f32 [tilespmem:s26], [sflag:$0x5], $0x1, s0, s22, $0xb8;
	[tilespmem:$0x1EE00] =	vst v63  }
0xdc: {  	_ =	swait.ge [sflag:s18], $0x80  }
0xdd: {  	[sflag:s18] =	ssyncset.done $0x0  }
0xde: {  	s12 =	simm.s32 $0x0;
	s13 =	rddreg [dreg:$0x7];
	[sflag:s18] =	ssyncadd.s32 $0xFFFFFF80  }
0xdf: {  	[tilespmem:s20], [sflag:$0x5] =	stream.linear.gather [hbm4b:s13+s12], $0x1400, $0x38;
	[tilespmem:$0x1EE00] =	vst v63  }
0xe0: {  	_ =	swait.ge [sflag:s18], $0x1400  }
0xe1: {  	[sflag:s18] =	ssyncset.done $0x0  }
0xe2: {  	s14 =	rddreg [dreg:$0x8];
	[sflag:s18] =	ssyncadd.s32 $0xFFFFEC00  }
0xe3: {  	[tilespmem:s21], [sflag:$0x5] =	stream.linear.gather [hbm4b:s14+s12], $0x1400, $0x38;
	[tilespmem:$0x1EE00] =	vst v63  }
0xe4: {  	_ =	swait.ge [sflag:s18], $0x1400  }
0xe5: {  	[sflag:s18] =	ssyncset.done $0x0  }
0xe6: {  	[sflag:s18] =	ssyncadd.s32 $0xFFFFEC00  }
0xe7: {  	[tilespmem:s23], [sflag:$0x1] =	stream.indirect.gather [hbm4b:s5+s22], $0x80, s20, s22, $0xb8;
	[tilespmem:$0x1EE00] =	vst v63  }
0xe8: {  	_ = 	snop  }
0xe9: {  	[tilespmem:s24], [sflag:$0x3] =	stream.indirect.gather [hbm4b:s6+s22], $0x1, s21, s22, $0xb8;
	[tilespmem:$0x1EE00] =	vst v63  }
0xea: {  	s10 =	simm.s32 $0x14300  }
0xeb: {  	[tilespmem:s25], [sflag:$0x2] =	stream.indirect.gather [hbm4b:s5+s22], $0x80, s10, s22, $0xb8;
	[tilespmem:$0x1EE00] =	vst v63  }
0xec: {  	s11 =	simm.s32 $0x15700  }
0xed: {  	[tilespmem:s26], [sflag:$0x4] =	stream.indirect.gather [hbm4b:s6+s22], $0x1, s11, s22, $0xb8;
	[tilespmem:$0x1EE00] =	vst v63  }
0xee: {  	_ =	swait.ge [sflag:s28], $0x4000  }
0xef: {  	[sflag:s28] =	ssyncset.done $0x0  }
0xf0: {  	s15 =	simm.s32 $0x15680;
	[sflag:s28] =	ssyncadd.s32 $0xFFFFC000  }
0xf1: {  	[spmem:s2] =	stream.indirect.scatter.add.f32 [tilespmem:s23], [sflag:$0x5], $0x80, s15, s22, $0xb8;
	[tilespmem:$0x1EE00] =	vst v63  }
0xf2: {  	_ =	swait.ge [sflag:s18], $0x4000  }
0xf3: {  	[sflag:s18] =	ssyncset.done $0x0  }
0xf4: {  	[sflag:s18] =	ssyncadd.s32 $0xFFFFC000  }
0xf5: {  	_ =	swait.ge [sflag:s29], $0x80  }
0xf6: {  	[sflag:s29] =	ssyncset.done $0x0  }
0xf7: {  	s13 =	simm.s32 $0x14280;
	[sflag:s29] =	ssyncadd.s32 $0xFFFFFF80  }
0xf8: {  	[spmem:s3] =	stream.indirect.scatter.add.f32 [tilespmem:s24], [sflag:$0x5], $0x1, s13, s22, $0xb8;
	[tilespmem:$0x1EE00] =	vst v63  }
0xf9: {  	_ =	swait.ge [sflag:s18], $0x80  }
0xfa: {  	[sflag:s18] =	ssyncset.done $0x0  }
0xfb: {  	s14 =	simm.s32 $0x14380;
	[sflag:s18] =	ssyncadd.s32 $0xFFFFFF80  }
0xfc: {  	[tilespmem:s23], [sflag:$0x1] =	stream.indirect.gather [hbm4b:s5+s22], $0x80, s14, s22, $0xb8;
	[tilespmem:$0x1EE00] =	vst v63  }
0xfd: {  	s15 =	simm.s32 $0x15780  }
0xfe: {  	[tilespmem:s24], [sflag:$0x3] =	stream.indirect.gather [hbm4b:s6+s22], $0x1, s15, s22, $0xb8;
	[tilespmem:$0x1EE00] =	vst v63  }
0xff: {  	_ =	swait.ge [sflag:s30], $0x4000  }
0x100: {  	[sflag:s30] =	ssyncset.done $0x0  }
0x101: {  	[sflag:s30] =	ssyncadd.s32 $0xFFFFC000  }
0x102: {  	[spmem:s2] =	stream.indirect.scatter.add.f32 [tilespmem:s25], [sflag:$0x5], $0x80, s11, s22, $0xb8;
	[tilespmem:$0x1EE00] =	vst v63  }
0x103: {  	_ =	swait.ge [sflag:s18], $0x4000  }
0x104: {  	[sflag:s18] =	ssyncset.done $0x0  }
0x105: {  	[sflag:s18] =	ssyncadd.s32 $0xFFFFC000  }
0x106: {  	_ =	swait.ge [sflag:s31], $0x80  }
0x107: {  	[sflag:s31] =	ssyncset.done $0x0  }
0x108: {  	[sflag:s31] =	ssyncadd.s32 $0xFFFFFF80  }
0x109: {  	[spmem:s3] =	stream.indirect.scatter.add.f32 [tilespmem:s26], [sflag:$0x5], $0x1, s10, s22, $0xb8;
	[tilespmem:$0x1EE00] =	vst v63  }
0x10a: {  	_ =	swait.ge [sflag:s18], $0x80  }
0x10b: {  	s14 =	simm.s32 $0x800;
	s10 =	simm.s32 $0x100;
	[sflag:s18] =	ssyncset.done $0x0  }
.LBB2_4:
0x10c: {  	s13 =	sadd.s32 $0x14300, s10  }
0x10d: {  	[sflag:s18] =	ssyncadd.s32 $0xFFFFFF80;
	s12 =	smov.u32 s14;
	s11 =	sadd.s32 $0x400, s14  }
0x10e: {  	[tilespmem:s25], [sflag:$0x2] =	stream.indirect.gather [hbm4b:s5+s22], $0x80, s13, s22, $0xb8;
	[tilespmem:$0x1EE00] =	vst v63  }
0x10f: {  	p0 =	sne.s32 s14, $0x4800;
	s14 =	sadd.s32 $0x15700, s10  }
0x110: {  	[tilespmem:s26], [sflag:$0x4] =	stream.indirect.gather [hbm4b:s6+s22], $0x1, s14, s22, $0xb8;
	[tilespmem:$0x1EE00] =	vst v63  }
0x111: {  	_ =	swait.ge [sflag:s28], $0x4000  }
0x112: {  	[sflag:s28] =	ssyncset.done $0x0  }
0x113: {  	s15 =	sadd.s32 $0x15680, s10;
	[sflag:s28] =	ssyncadd.s32 $0xFFFFC000  }
0x114: {  	[spmem:s2] =	stream.indirect.scatter.add.f32 [tilespmem:s23], [sflag:$0x5], $0x80, s15, s22, $0xb8;
	[tilespmem:$0x1EE00] =	vst v63  }
0x115: {  	_ =	swait.ge [sflag:s18], $0x4000  }
0x116: {  	[sflag:s18] =	ssyncset.done $0x0  }
0x117: {  	[sflag:s18] =	ssyncadd.s32 $0xFFFFC000  }
0x118: {  	_ =	swait.ge [sflag:s29], $0x80  }
0x119: {  	[sflag:s29] =	ssyncset.done $0x0  }
0x11a: {  	s15 =	sadd.s32 $0x14280, s10;
	[sflag:s29] =	ssyncadd.s32 $0xFFFFFF80  }
0x11b: {  	[spmem:s3] =	stream.indirect.scatter.add.f32 [tilespmem:s24], [sflag:$0x5], $0x1, s15, s22, $0xb8;
	[tilespmem:$0x1EE00] =	vst v63  }
0x11c: {  	_ =	swait.ge [sflag:s18], $0x80  }
0x11d: {  	[sflag:s18] =	ssyncset.done $0x0  }
0x11e: {  	s15 =	sadd.s32 $0x14380, s10;
	[sflag:s18] =	ssyncadd.s32 $0xFFFFFF80  }
0x11f: {  	[tilespmem:s23], [sflag:$0x1] =	stream.indirect.gather [hbm4b:s5+s22], $0x80, s15, s22, $0xb8;
	[tilespmem:$0x1EE00] =	vst v63  }
0x120: {  	s10 =	sadd.s32 $0x15780, s10  }
0x121: {  	[tilespmem:s24], [sflag:$0x3] =	stream.indirect.gather [hbm4b:s6+s22], $0x1, s10, s22, $0xb8;
	[tilespmem:$0x1EE00] =	vst v63  }
0x122: {  	_ =	swait.ge [sflag:s30], $0x4000  }
0x123: {  	[sflag:s30] =	ssyncset.done $0x0  }
0x124: {  	[sflag:s30] =	ssyncadd.s32 $0xFFFFC000  }
0x125: {  	[spmem:s2] =	stream.indirect.scatter.add.f32 [tilespmem:s25], [sflag:$0x5], $0x80, s14, s22, $0xb8;
	[tilespmem:$0x1EE00] =	vst v63  }
0x126: {  	_ =	swait.ge [sflag:s18], $0x4000  }
0x127: {  	[sflag:s18] =	ssyncset.done $0x0  }
0x128: {  	[sflag:s18] =	ssyncadd.s32 $0xFFFFC000  }
0x129: {  	_ =	swait.ge [sflag:s31], $0x80  }
.Ltmp1:
0x12a: {  	[sflag:s31] =	ssyncset.done $0x0;
	(pc) =	sbr.rel @p0 .LBB2_4-.Ltmp1, $4  }
0x12b: {  	[sflag:s31] =	ssyncadd.s32 $0xFFFFFF80  }
0x12c: {  	[spmem:s3] =	stream.indirect.scatter.add.f32 [tilespmem:s26], [sflag:$0x5], $0x1, s13, s22, $0xb8;
	[tilespmem:$0x1EE00] =	vst v63  }
0x12d: {  	_ =	swait.ge [sflag:s18], $0x80  }
0x12e: {  	s10 =	sshra.s32 s12, $0x2;
	s14 =	smov.u32 s11;
	[sflag:s18] =	ssyncset.done $0x0  }
0x12f: {  	s11 =	sadd.s32 $0x14300, s10;
	[sflag:s18] =	ssyncadd.s32 $0xFFFFFF80  }
0x130: {  	[tilespmem:s25], [sflag:$0x2] =	stream.indirect.gather [hbm4b:s5+s22], $0x80, s11, s22, $0xb8;
	[tilespmem:$0x1EE00] =	vst v63  }
0x131: {  	s12 =	sadd.s32 $0x15700, s10  }
0x132: {  	[tilespmem:s26], [sflag:$0x4] =	stream.indirect.gather [hbm4b:s6+s22], $0x1, s12, s22, $0xb8;
	[tilespmem:$0x1EE00] =	vst v63  }
0x133: {  	_ =	swait.ge [sflag:s28], $0x4000  }
0x134: {  	[sflag:s28] =	ssyncset.done $0x0  }
0x135: {  	s13 =	sadd.s32 $0x15680, s10;
	[sflag:s28] =	ssyncadd.s32 $0xFFFFC000  }
0x136: {  	[spmem:s2] =	stream.indirect.scatter.add.f32 [tilespmem:s23], [sflag:$0x5], $0x80, s13, s22, $0xb8;
	[tilespmem:$0x1EE00] =	vst v63  }
0x137: {  	_ =	swait.ge [sflag:s18], $0x4000  }
0x138: {  	[sflag:s18] =	ssyncset.done $0x0  }
0x139: {  	[sflag:s18] =	ssyncadd.s32 $0xFFFFC000  }
0x13a: {  	_ =	swait.ge [sflag:s29], $0x80  }
0x13b: {  	[sflag:s29] =	ssyncset.done $0x0  }
0x13c: {  	s15 =	sadd.s32 $0x14280, s10;
	[sflag:s29] =	ssyncadd.s32 $0xFFFFFF80  }
0x13d: {  	[spmem:s3] =	stream.indirect.scatter.add.f32 [tilespmem:s24], [sflag:$0x5], $0x1, s15, s22, $0xb8;
	[tilespmem:$0x1EE00] =	vst v63  }
0x13e: {  	_ =	swait.ge [sflag:s18], $0x80  }
0x13f: {  	[sflag:s18] =	ssyncset.done $0x0  }
0x140: {  	s14 =	sadd.s32 $0x14380, s10;
	[sflag:s18] =	ssyncadd.s32 $0xFFFFFF80  }
0x141: {  	[tilespmem:s23], [sflag:$0x1] =	stream.indirect.gather [hbm4b:s5+s22], $0x80, s14, s22, $0xb8;
	[tilespmem:$0x1EE00] =	vst v63  }
0x142: {  	s15 =	sadd.s32 $0x15780, s10  }
0x143: {  	[tilespmem:s24], [sflag:$0x3] =	stream.indirect.gather [hbm4b:s6+s22], $0x1, s15, s22, $0xb8;
	[tilespmem:$0x1EE00] =	vst v63  }
0x144: {  	_ =	swait.ge [sflag:s30], $0x4000  }
0x145: {  	[sflag:s30] =	ssyncset.done $0x0  }
0x146: {  	[sflag:s30] =	ssyncadd.s32 $0xFFFFC000  }
0x147: {  	[spmem:s2] =	stream.indirect.scatter.add.f32 [tilespmem:s25], [sflag:$0x5], $0x80, s12, s22, $0xb8;
	[tilespmem:$0x1EE00] =	vst v63  }
0x148: {  	_ =	swait.ge [sflag:s18], $0x4000  }
0x149: {  	[sflag:s18] =	ssyncset.done $0x0  }
0x14a: {  	[sflag:s18] =	ssyncadd.s32 $0xFFFFC000  }
0x14b: {  	_ =	swait.ge [sflag:s31], $0x80  }
0x14c: {  	[sflag:s31] =	ssyncset.done $0x0  }
0x14d: {  	[sflag:s31] =	ssyncadd.s32 $0xFFFFFF80  }
0x14e: {  	[spmem:s3] =	stream.indirect.scatter.add.f32 [tilespmem:s26], [sflag:$0x5], $0x1, s11, s22, $0xb8;
	[tilespmem:$0x1EE00] =	vst v63  }
0x14f: {  	_ =	swait.ge [sflag:s18], $0x80  }
0x150: {  	[sflag:s18] =	ssyncset.done $0x0  }
0x151: {  	[sflag:s18] =	ssyncadd.s32 $0xFFFFFF80  }
0x152: {  	[tilespmem:s25], [sflag:$0x2] =	stream.indirect.gather [hbm4b:s5+s22], $0x80, s0, s22, $0xb8;
	[tilespmem:$0x1EE00] =	vst v63  }
0x153: {  	_ = 	snop  }
0x154: {  	[tilespmem:s26], [sflag:$0x4] =	stream.indirect.gather [hbm4b:s6+s22], $0x1, s1, s22, $0xb8;
	[tilespmem:$0x1EE00] =	vst v63  }
0x155: {  	_ =	swait.ge [sflag:s28], $0x4000  }
0x156: {  	[sflag:s28] =	ssyncset.done $0x0  }
0x157: {  	[sflag:s28] =	ssyncadd.s32 $0xFFFFC000  }
0x158: {  	[spmem:s2] =	stream.indirect.scatter.add.f32 [tilespmem:s23], [sflag:$0x5], $0x80, s19, s22, $0xb8;
	[tilespmem:$0x1EE00] =	vst v63  }
0x159: {  	_ =	swait.ge [sflag:s18], $0x4000  }
0x15a: {  	[sflag:s18] =	ssyncset.done $0x0  }
0x15b: {  	[sflag:s18] =	ssyncadd.s32 $0xFFFFC000  }
0x15c: {  	_ =	swait.ge [sflag:s29], $0x80  }
0x15d: {  	[sflag:s29] =	ssyncset.done $0x0  }
0x15e: {  	[sflag:s29] =	ssyncadd.s32 $0xFFFFFF80  }
0x15f: {  	[spmem:s3] =	stream.indirect.scatter.add.f32 [tilespmem:s24], [sflag:$0x5], $0x1, s4, s22, $0xb8;
	[tilespmem:$0x1EE00] =	vst v63  }
0x160: {  	_ =	swait.ge [sflag:s18], $0x80  }
0x161: {  	[sflag:s18] =	ssyncset.done $0x0  }
0x162: {  	[sflag:s18] =	ssyncadd.s32 $0xFFFFFF80  }
0x163: {  	_ =	swait.ge [sflag:s30], $0x4000  }
0x164: {  	[sflag:s30] =	ssyncset.done $0x0  }
0x165: {  	[sflag:s30] =	ssyncadd.s32 $0xFFFFC000  }
0x166: {  	[spmem:s2] =	stream.indirect.scatter.add.f32 [tilespmem:s25], [sflag:$0x5], $0x80, s1, s22, $0xb8;
	[tilespmem:$0x1EE00] =	vst v63  }
0x167: {  	_ =	swait.ge [sflag:s18], $0x4000  }
0x168: {  	[sflag:s18] =	ssyncset.done $0x0  }
0x169: {  	[sflag:s18] =	ssyncadd.s32 $0xFFFFC000  }
0x16a: {  	_ =	swait.ge [sflag:s31], $0x80  }
0x16b: {  	[sflag:s31] =	ssyncset.done $0x0  }
0x16c: {  	[sflag:s31] =	ssyncadd.s32 $0xFFFFFF80  }
0x16d: {  	[spmem:s3] =	stream.indirect.scatter.add.f32 [tilespmem:s26], [sflag:$0x5], $0x1, s0, s22, $0xb8;
	[tilespmem:$0x1EE00] =	vst v63  }
0x16e: {  	_ =	swait.ge [sflag:s18], $0x80  }
0x16f: {  	[sflag:s18] =	ssyncset.done $0x0  }
0x170: {  	[sflag:s18] =	ssyncadd.s32 $0xFFFFFF80  }
0x171: {  	[bflag:$0x0] =	sbarrier.arrive $0xFFFF  }
0x172: {  	s13 =	rddreg [dreg:$0x9]  }
0x173: {  	[hbm:s13], [sflag:s8] =	dma.local [spmem:s17], $0x2800  }
0x174: {  	s7 =	sadd.s32 $0x1, s7;
	_ =	swait.ge [sflag:s18], $0x2800  }
0x175: {  	p0 =	sne.s32 s7, s16;
	s14 =	sshrl.u32 s9, $0x3;
	[sflag:s18] =	ssyncset.done $0x0  }
.Ltmp2:
0x176: {  	s15 =	rddreg [dreg:$0xa];
	[sflag:s18] =	ssyncadd.s32 $0xFFFFD800;
	(pc) =	sbr.rel @p0 .LBB2_1-.Ltmp2, $4  }
0x177: {  	[hbm:s15], [sflag:s8] =	dma.local [spmem:s14], $0x50  }
0x178: {  	_ =	swait.ge [sflag:s18], $0x50  }
0x179: {  	[sflag:s18] =	ssyncset.done $0x0  }
0x17a: {  	[sflag:s18] =	ssyncadd.s32 $0xFFFFFFB0  }
0x17b: {  	_ =	sfence.sel $0x180000  }
0x17c: {  	[bflag:$0x0] =	sbarrier.arrive $0xFFFF  }
0x17d: {  	_ =	strace $0x9000004A  }
0x17e: {  	s0 =	stileid.u32;
	[bflag:$0x2] =	sbarrier.arrive $0xFFFF  }
0x17f: {  	p0 =	sne.s32 s0, $0x0;
	s0 =	rddreg [dreg:$0x3]  }
0x180: {  	s0 =	sadd.s32 @!p0 $0x100000, s0  }
0x181: {  	[sflag:s0] =	ssyncadd.tile.s32 @!p0 $0x1;
	_ =	shalt  }
.Lfunc_end2:
_tile_overlayer_lowered:
.L_overlay_start_2:
0x182: {  	(tag) =	ssettag $0x2  }
0x183: {  	s0 =	rddreg [dreg:$0x0];
	s2 =	stileid.u32  }
0x184: {  	s1 =	rddreg [dreg:$0x1];
	p0 =	sne.s32 s2, $0x0  }
0x185: {  	s3 =	rddreg [dreg:$0x2];
	[bflag:$0x3] =	sbarrier.arrive $0xFFFF;
	s2 =	simm.s32 @!p0 $0x1C05  }
0x186: {  	[timem:s3], [sflag:s2] =	dma.local @!p0 [hbm:s0], s1  }
0x187: {  	s0 =	simm.s32 @!p0 $0x5  }
0x188: {  	_ =	swait.ge @!p0 [sflag:s0], s1  }
0x189: {  	s1 =	ssub.s32 @!p0 $0x0, s1;
	[sflag:s0] =	ssyncset.done @!p0 $0x0  }
0x18a: {  	[sflag:s0] =	ssyncadd.s32 @!p0 s1  }
0x18b: {  	[bflag:$0x3] =	sbarrier.arrive $0xFFFF  }
0x18c: {  	_ =	shalt  }

</sc_bundles>
